<compile_context>
chip_gen: v7x
topology: tpu7x:2x2x1
jax: 0.10.2.dev20260603
libtpu: 0.0.44.dev20260713+nightly
codegen_flags: <defaults>
</compile_context>

<pallas_src>
import functools

import jax
import jax.numpy as jnp
from jax import lax
from jax.experimental import pallas as pl
from jax.experimental.pallas import tpu as pltpu
from jax.experimental.pallas import tpu_sc as plsc

VOC = 100000
EMB = 128
P = 16384
N = 65536

R = 16384
G = 7
S_PAD = G * R

NC = 2
NS = 16
NW = NC * NS
PP = P // NW
NN = N // NW
L = 16
KP = PP // 128
KN = NN // 128


def _tc_scores(lab_ref, vrow_ref, emb_ref, s_ref):
    dots = lax.dot_general(
        vrow_ref[0], emb_ref[...],
        (((1,), (1,)), ((), ())),
        preferred_element_type=jnp.float32,
    )
    s_ref[...] = (1.0 / (1.0 + jnp.exp(-dots))).reshape(R)


SSEG = S_PAD // NS


@functools.partial(
    pl.kernel,
    mesh=plsc.VectorSubcoreMesh(core_axis_name="c", subcore_axis_name="s"),
    out_type=jax.ShapeDtypeStruct((NW, 2, L), jnp.float32),
    scratch_types=[
        pltpu.VMEM((PP,), jnp.int32),
        pltpu.VMEM((NN,), jnp.int32),
        pltpu.VMEM((PP,), jnp.float32),
        pltpu.VMEM((NN,), jnp.float32),
        pltpu.VMEM((2, L), jnp.float32),
        pltpu.VMEM_SHARED((S_PAD,), jnp.float32),
        pltpu.SemaphoreType.DMA,
    ],
)
def _sc_gather_sum(s_hbm, pos_hbm, neg_hbm, out_hbm,
                   idxp_v, idxn_v, valp_v, valn_v, acc2_v, s_sh, sem):
    cid = lax.axis_index("c")
    sid = lax.axis_index("s")
    wid = sid * NC + cid
    pltpu.sync_copy(pos_hbm.at[pl.ds(wid * PP, PP)], idxp_v)
    pltpu.sync_copy(neg_hbm.at[pl.ds(wid * NN, NN)], idxn_v)
    pltpu.sync_copy(s_hbm.at[pl.ds(sid * SSEG, SSEG)],
                    s_sh.at[pl.ds(sid * SSEG, SSEG)])
    zero = jnp.zeros((L,), jnp.float32)
    plsc.subcore_barrier()

    copies = []
    for j in range(KP):
        copies.append(pltpu.async_copy(
            s_sh.at[idxp_v.at[pl.ds(j * 128, 128)]],
            valp_v.at[pl.ds(j * 128, 128)], sem))
    for j in range(KN):
        copies.append(pltpu.async_copy(
            s_sh.at[idxn_v.at[pl.ds(j * 128, 128)]],
            valn_v.at[pl.ds(j * 128, 128)], sem))
    for c in copies:
        c.wait()

    def body_p(i, acc):
        return acc + valp_v[pl.ds(pl.multiple_of(i * L, L), L)]

    accp = lax.fori_loop(0, PP // L, body_p, zero)

    def body_n(i, acc):
        return acc + valn_v[pl.ds(pl.multiple_of(i * L, L), L)]

    accn = lax.fori_loop(0, NN // L, body_n, zero)

    acc2_v[0, :] = accp
    acc2_v[1, :] = accn
    pltpu.sync_copy(acc2_v, out_hbm.at[wid])


def kernel(input_labels, pos_labels, neg_labels, in_embed, out_embed):
    s_flat = pl.pallas_call(
        _tc_scores,
        grid_spec=pltpu.PrefetchScalarGridSpec(
            num_scalar_prefetch=1,
            grid=(G,),
            in_specs=[
                pl.BlockSpec((1, 1, EMB), lambda i, lab: (lab[0], 0, 0)),
                pl.BlockSpec((R, EMB), lambda i, lab: (i, 0)),
            ],
            out_specs=pl.BlockSpec((R,), lambda i, lab: (i,)),
        ),
        out_shape=jax.ShapeDtypeStruct((S_PAD,), jnp.float32),
    )(input_labels, in_embed.reshape(VOC, 1, EMB), out_embed)

    part = _sc_gather_sum(s_flat, pos_labels, neg_labels)
    totals = jnp.sum(part, axis=(0, 2))
    log_pos = totals[0].reshape(1, 1)
    log_neg = totals[1].reshape(1, 1)
    return (log_pos, log_neg)

# --- scband reference (transcript-rebuilt; emitter-appended) ---
"""Pipeline reference for scband-embedding-model-3015067042480 (READ-ONLY COPY).

The authoritative reference and input builder live on the scoring server;
editing this copy changes nothing except your own understanding.
"""

import jax, jax.numpy as jnp
import numpy as np

VOC = 100000
EMB = 128
P = 16384
N = 65536

def setup_inputs(seed: int = 0) -> dict:
    key = jax.random.key(seed)
    k1, k2, k3, k4, k5 = jax.random.split(key, 5)
    in_embed = jax.random.normal(k1, (VOC, EMB), dtype=jnp.float32)
    out_embed = jax.random.normal(k2, (VOC, EMB), dtype=jnp.float32)
    input_labels = jax.random.randint(k3, (1,), 0, VOC, dtype=jnp.int32)
    pos_labels = jax.random.randint(k4, (P,), 0, VOC, dtype=jnp.int32)
    neg_labels = jax.random.randint(k5, (N,), 0, VOC, dtype=jnp.int32)
    return {
        "input_labels": input_labels,
        "pos_labels": pos_labels,
        "neg_labels": neg_labels,
        "in_embed": in_embed,
        "out_embed": out_embed,
    }

def reference(input_labels, pos_labels, neg_labels, in_embed, out_embed):
    # in_embed(input_labels) -> [B, emb]; unsqueeze(2) -> [B, emb, 1]
    input_embedding = jnp.take(in_embed, input_labels, axis=0)[:, :, None]
    # out_embed(pos_labels) -> [P, emb]; unsqueeze(0) -> [1, P, emb]
    pos_embedding = jnp.take(out_embed, pos_labels, axis=0)[None, :, :]
    neg_embedding = jnp.take(out_embed, neg_labels, axis=0)[None, :, :]
    # torch.bmm requires matching batch dims, which forces B == 1 here
    pos_dot = jnp.matmul(pos_embedding, input_embedding)  # [1, P, 1]
    neg_dot = jnp.matmul(neg_embedding, input_embedding)  # [1, N, 1]
    log_pos = jax.nn.sigmoid(pos_dot).sum(axis=1)  # [1, 1]
    log_neg = jax.nn.sigmoid(neg_dot).sum(axis=1)  # [1, 1]
    return (log_pos, log_neg)

if __name__ == "__main__":
    import jax
    _d = setup_inputs()
    print(jax.jit(kernel)(*tuple(_d.values())))

</pallas_src>

<mosaic_0001>
#map = affine_map<(d0, d1) -> (0)>
#map1 = affine_map<(d0, d1) -> (0, 0, 0)>
module attributes {stable_mosaic.version = 14 : i64} {
  func.func @_sc_gather_sum(%arg0: i32, %arg1: i32, %arg2: memref<114688xf32, #tpu.memory_space<hbm>>, %arg3: memref<16384xi32, #tpu.memory_space<hbm>>, %arg4: memref<65536xi32, #tpu.memory_space<hbm>>, %arg5: memref<32x2x16xf32, #tpu.memory_space<hbm>>, %arg6: memref<512xi32, #tpu.memory_space<vmem>>, %arg7: memref<2048xi32, #tpu.memory_space<vmem>>, %arg8: memref<512xf32, #tpu.memory_space<vmem>>, %arg9: memref<2048xf32, #tpu.memory_space<vmem>>, %arg10: memref<2x16xf32, #tpu.memory_space<vmem>>, %arg11: memref<114688xf32, #tpu.memory_space<vmem_shared>>, %arg12: memref<!tpu.dma_semaphore, #tpu.memory_space<semaphore_mem>>) attributes {dimension_semantics = [#tpu.dimension_semantics<core_parallel>, #tpu.dimension_semantics<subcore_parallel>], iteration_bounds = array<i64: 2, 16>, scalar_prefetch = 0 : i64, scratch_operands = 7 : i64, tpu.core_type = #tpu.core_type<sc_vector_subcore>, window_params = [{transform_indices = #map}, {transform_indices = #map}, {transform_indices = #map}, {transform_indices = #map1}]} {
    %mul3A = arith.constant 2 : i32
    %mul3A_0 = arith.muli %arg1, %mul3A : i32
    %add3A = arith.addi %mul3A_0, %arg0 : i32
    %mul3A_1 = arith.constant 512 : i32
    %mul3A_2 = arith.muli %add3A, %mul3A_1 : i32
    "tpu.region"() ({
      %run_scoped3A = tpu.sem_alloc : memref<!tpu.dma_semaphore, #tpu.memory_space<semaphore_mem>>
      %dma_start3A_270 = tpu.memref_slice %arg3[%mul3A_2] : memref<16384xi32, #tpu.memory_space<hbm>> -> memref<512xi32, #tpu.memory_space<hbm>>
      %dma_start3A_271 = tpu.memref_slice %arg3[%mul3A_2] : memref<16384xi32, #tpu.memory_space<hbm>> -> memref<512xi32, #tpu.memory_space<hbm>>
      tpu.enqueue_dma source(%dma_start3A_271 : memref<512xi32, #tpu.memory_space<hbm>>) target(%arg6 : memref<512xi32, #tpu.memory_space<vmem>>) target_semaphore(%run_scoped3A : memref<!tpu.dma_semaphore, #tpu.memory_space<semaphore_mem>>)
      %dma_wait3A_272 = tpu.memref_slice %arg3[%mul3A_2] : memref<16384xi32, #tpu.memory_space<hbm>> -> memref<512xi32, #tpu.memory_space<hbm>>
      %dma_wait3A_273 = tpu.memref_slice %arg3[%mul3A_2] : memref<16384xi32, #tpu.memory_space<hbm>> -> memref<512xi32, #tpu.memory_space<hbm>>
      tpu.wait_dma2 semaphore(%run_scoped3A : memref<!tpu.dma_semaphore, #tpu.memory_space<semaphore_mem>>) src(%dma_wait3A_273 : memref<512xi32, #tpu.memory_space<hbm>>) dst(%arg6 : memref<512xi32, #tpu.memory_space<vmem>>)
      tpu.yield
    }) : () -> ()
    %mul3A_3 = arith.constant 2048 : i32
    %mul3A_4 = arith.muli %add3A, %mul3A_3 : i32
    "tpu.region"() ({
      %run_scoped3A = tpu.sem_alloc : memref<!tpu.dma_semaphore, #tpu.memory_space<semaphore_mem>>
      %dma_start3A_270 = tpu.memref_slice %arg4[%mul3A_4] : memref<65536xi32, #tpu.memory_space<hbm>> -> memref<2048xi32, #tpu.memory_space<hbm>>
      %dma_start3A_271 = tpu.memref_slice %arg4[%mul3A_4] : memref<65536xi32, #tpu.memory_space<hbm>> -> memref<2048xi32, #tpu.memory_space<hbm>>
      tpu.enqueue_dma source(%dma_start3A_271 : memref<2048xi32, #tpu.memory_space<hbm>>) target(%arg7 : memref<2048xi32, #tpu.memory_space<vmem>>) target_semaphore(%run_scoped3A : memref<!tpu.dma_semaphore, #tpu.memory_space<semaphore_mem>>)
      %dma_wait3A_272 = tpu.memref_slice %arg4[%mul3A_4] : memref<65536xi32, #tpu.memory_space<hbm>> -> memref<2048xi32, #tpu.memory_space<hbm>>
      %dma_wait3A_273 = tpu.memref_slice %arg4[%mul3A_4] : memref<65536xi32, #tpu.memory_space<hbm>> -> memref<2048xi32, #tpu.memory_space<hbm>>
      tpu.wait_dma2 semaphore(%run_scoped3A : memref<!tpu.dma_semaphore, #tpu.memory_space<semaphore_mem>>) src(%dma_wait3A_273 : memref<2048xi32, #tpu.memory_space<hbm>>) dst(%arg7 : memref<2048xi32, #tpu.memory_space<vmem>>)
      tpu.yield
    }) : () -> ()
    %mul3A_5 = arith.constant 7168 : i32
    %mul3A_6 = arith.muli %arg1, %mul3A_5 : i32
    %mul3A_7 = arith.constant 7168 : i32
    %mul3A_8 = arith.muli %arg1, %mul3A_7 : i32
    "tpu.region"() ({
      %run_scoped3A = tpu.sem_alloc : memref<!tpu.dma_semaphore, #tpu.memory_space<semaphore_mem>>
      %dma_start3A_270 = tpu.memref_slice %arg11[%mul3A_8] : memref<114688xf32, #tpu.memory_space<vmem_shared>> -> memref<7168xf32, #tpu.memory_space<vmem_shared>>
      %dma_start3A_271 = tpu.memref_slice %arg2[%mul3A_6] : memref<114688xf32, #tpu.memory_space<hbm>> -> memref<7168xf32, #tpu.memory_space<hbm>>
      tpu.enqueue_dma source(%dma_start3A_271 : memref<7168xf32, #tpu.memory_space<hbm>>) target(%dma_start3A_270 : memref<7168xf32, #tpu.memory_space<vmem_shared>>) target_semaphore(%run_scoped3A : memref<!tpu.dma_semaphore, #tpu.memory_space<semaphore_mem>>)
      %dma_wait3A_272 = tpu.memref_slice %arg11[%mul3A_8] : memref<114688xf32, #tpu.memory_space<vmem_shared>> -> memref<7168xf32, #tpu.memory_space<vmem_shared>>
      %dma_wait3A_273 = tpu.memref_slice %arg2[%mul3A_6] : memref<114688xf32, #tpu.memory_space<hbm>> -> memref<7168xf32, #tpu.memory_space<hbm>>
      tpu.wait_dma2 semaphore(%run_scoped3A : memref<!tpu.dma_semaphore, #tpu.memory_space<semaphore_mem>>) src(%dma_wait3A_273 : memref<7168xf32, #tpu.memory_space<hbm>>) dst(%dma_wait3A_272 : memref<7168xf32, #tpu.memory_space<vmem_shared>>)
      tpu.yield
    }) : () -> ()
    %broadcast_in_dim3A = arith.constant 0.000000e+00 : f32
    %broadcast_in_dim3A_9 = vector.broadcast %broadcast_in_dim3A : f32 to vector<16xf32>
    %barrier3A = arith.constant 0 : index
    tpu.barrier barrier_id(%barrier3A)
    %dma_start3A = arith.constant 0 : i32
    %dma_start3A_10 = tpu.memref_slice %arg8[%dma_start3A] : memref<512xf32, #tpu.memory_space<vmem>> -> memref<128xf32, #tpu.memory_space<vmem>>
    %dma_start3A_11 = arith.constant 0 : i32
    %dma_start3A_12 = tpu.memref_slice %arg6[%dma_start3A_11] : memref<512xi32, #tpu.memory_space<vmem>> -> memref<128xi32, #tpu.memory_space<vmem>>
    %dma_start3A_13 = arith.constant 0 : i32
    %dma_start3A_14 = tpu.memref_slice %arg11[%dma_start3A_13] : memref<114688xf32, #tpu.memory_space<vmem_shared>> -> memref<114688xf32, #tpu.memory_space<vmem_shared>>
    tpu.enqueue_indirect_dma source(%dma_start3A_14 : memref<114688xf32, #tpu.memory_space<vmem_shared>>) target(%dma_start3A_10 : memref<128xf32, #tpu.memory_space<vmem>>) offsets(%dma_start3A_12 : memref<128xi32, #tpu.memory_space<vmem>>) semaphore(%arg12 : memref<!tpu.dma_semaphore, #tpu.memory_space<semaphore_mem>>)
    %dma_start3A_15 = arith.constant 128 : i32
    %dma_start3A_16 = tpu.memref_slice %arg8[%dma_start3A_15] : memref<512xf32, #tpu.memory_space<vmem>> -> memref<128xf32, #tpu.memory_space<vmem>>
    %dma_start3A_17 = arith.constant 128 : i32
    %dma_start3A_18 = tpu.memref_slice %arg6[%dma_start3A_17] : memref<512xi32, #tpu.memory_space<vmem>> -> memref<128xi32, #tpu.memory_space<vmem>>
    %dma_start3A_19 = arith.constant 0 : i32
    %dma_start3A_20 = tpu.memref_slice %arg11[%dma_start3A_19] : memref<114688xf32, #tpu.memory_space<vmem_shared>> -> memref<114688xf32, #tpu.memory_space<vmem_shared>>
    tpu.enqueue_indirect_dma source(%dma_start3A_20 : memref<114688xf32, #tpu.memory_space<vmem_shared>>) target(%dma_start3A_16 : memref<128xf32, #tpu.memory_space<vmem>>) offsets(%dma_start3A_18 : memref<128xi32, #tpu.memory_space<vmem>>) semaphore(%arg12 : memref<!tpu.dma_semaphore, #tpu.memory_space<semaphore_mem>>)
    %dma_start3A_21 = arith.constant 256 : i32
    %dma_start3A_22 = tpu.memref_slice %arg8[%dma_start3A_21] : memref<512xf32, #tpu.memory_space<vmem>> -> memref<128xf32, #tpu.memory_space<vmem>>
    %dma_start3A_23 = arith.constant 256 : i32
    %dma_start3A_24 = tpu.memref_slice %arg6[%dma_start3A_23] : memref<512xi32, #tpu.memory_space<vmem>> -> memref<128xi32, #tpu.memory_space<vmem>>
    %dma_start3A_25 = arith.constant 0 : i32
    %dma_start3A_26 = tpu.memref_slice %arg11[%dma_start3A_25] : memref<114688xf32, #tpu.memory_space<vmem_shared>> -> memref<114688xf32, #tpu.memory_space<vmem_shared>>
    tpu.enqueue_indirect_dma source(%dma_start3A_26 : memref<114688xf32, #tpu.memory_space<vmem_shared>>) target(%dma_start3A_22 : memref<128xf32, #tpu.memory_space<vmem>>) offsets(%dma_start3A_24 : memref<128xi32, #tpu.memory_space<vmem>>) semaphore(%arg12 : memref<!tpu.dma_semaphore, #tpu.memory_space<semaphore_mem>>)
    %dma_start3A_27 = arith.constant 384 : i32
    %dma_start3A_28 = tpu.memref_slice %arg8[%dma_start3A_27] : memref<512xf32, #tpu.memory_space<vmem>> -> memref<128xf32, #tpu.memory_space<vmem>>
    %dma_start3A_29 = arith.constant 384 : i32
    %dma_start3A_30 = tpu.memref_slice %arg6[%dma_start3A_29] : memref<512xi32, #tpu.memory_space<vmem>> -> memref<128xi32, #tpu.memory_space<vmem>>
    %dma_start3A_31 = arith.constant 0 : i32
    %dma_start3A_32 = tpu.memref_slice %arg11[%dma_start3A_31] : memref<114688xf32, #tpu.memory_space<vmem_shared>> -> memref<114688xf32, #tpu.memory_space<vmem_shared>>
    tpu.enqueue_indirect_dma source(%dma_start3A_32 : memref<114688xf32, #tpu.memory_space<vmem_shared>>) target(%dma_start3A_28 : memref<128xf32, #tpu.memory_space<vmem>>) offsets(%dma_start3A_30 : memref<128xi32, #tpu.memory_space<vmem>>) semaphore(%arg12 : memref<!tpu.dma_semaphore, #tpu.memory_space<semaphore_mem>>)
    %dma_start3A_33 = arith.constant 0 : i32
    %dma_start3A_34 = tpu.memref_slice %arg9[%dma_start3A_33] : memref<2048xf32, #tpu.memory_space<vmem>> -> memref<128xf32, #tpu.memory_space<vmem>>
    %dma_start3A_35 = arith.constant 0 : i32
    %dma_start3A_36 = tpu.memref_slice %arg7[%dma_start3A_35] : memref<2048xi32, #tpu.memory_space<vmem>> -> memref<128xi32, #tpu.memory_space<vmem>>
    %dma_start3A_37 = arith.constant 0 : i32
    %dma_start3A_38 = tpu.memref_slice %arg11[%dma_start3A_37] : memref<114688xf32, #tpu.memory_space<vmem_shared>> -> memref<114688xf32, #tpu.memory_space<vmem_shared>>
    tpu.enqueue_indirect_dma source(%dma_start3A_38 : memref<114688xf32, #tpu.memory_space<vmem_shared>>) target(%dma_start3A_34 : memref<128xf32, #tpu.memory_space<vmem>>) offsets(%dma_start3A_36 : memref<128xi32, #tpu.memory_space<vmem>>) semaphore(%arg12 : memref<!tpu.dma_semaphore, #tpu.memory_space<semaphore_mem>>)
    %dma_start3A_39 = arith.constant 128 : i32
    %dma_start3A_40 = tpu.memref_slice %arg9[%dma_start3A_39] : memref<2048xf32, #tpu.memory_space<vmem>> -> memref<128xf32, #tpu.memory_space<vmem>>
    %dma_start3A_41 = arith.constant 128 : i32
    %dma_start3A_42 = tpu.memref_slice %arg7[%dma_start3A_41] : memref<2048xi32, #tpu.memory_space<vmem>> -> memref<128xi32, #tpu.memory_space<vmem>>
    %dma_start3A_43 = arith.constant 0 : i32
    %dma_start3A_44 = tpu.memref_slice %arg11[%dma_start3A_43] : memref<114688xf32, #tpu.memory_space<vmem_shared>> -> memref<114688xf32, #tpu.memory_space<vmem_shared>>
    tpu.enqueue_indirect_dma source(%dma_start3A_44 : memref<114688xf32, #tpu.memory_space<vmem_shared>>) target(%dma_start3A_40 : memref<128xf32, #tpu.memory_space<vmem>>) offsets(%dma_start3A_42 : memref<128xi32, #tpu.memory_space<vmem>>) semaphore(%arg12 : memref<!tpu.dma_semaphore, #tpu.memory_space<semaphore_mem>>)
    %dma_start3A_45 = arith.constant 256 : i32
    %dma_start3A_46 = tpu.memref_slice %arg9[%dma_start3A_45] : memref<2048xf32, #tpu.memory_space<vmem>> -> memref<128xf32, #tpu.memory_space<vmem>>
    %dma_start3A_47 = arith.constant 256 : i32
    %dma_start3A_48 = tpu.memref_slice %arg7[%dma_start3A_47] : memref<2048xi32, #tpu.memory_space<vmem>> -> memref<128xi32, #tpu.memory_space<vmem>>
    %dma_start3A_49 = arith.constant 0 : i32
    %dma_start3A_50 = tpu.memref_slice %arg11[%dma_start3A_49] : memref<114688xf32, #tpu.memory_space<vmem_shared>> -> memref<114688xf32, #tpu.memory_space<vmem_shared>>
    tpu.enqueue_indirect_dma source(%dma_start3A_50 : memref<114688xf32, #tpu.memory_space<vmem_shared>>) target(%dma_start3A_46 : memref<128xf32, #tpu.memory_space<vmem>>) offsets(%dma_start3A_48 : memref<128xi32, #tpu.memory_space<vmem>>) semaphore(%arg12 : memref<!tpu.dma_semaphore, #tpu.memory_space<semaphore_mem>>)
    %dma_start3A_51 = arith.constant 384 : i32
    %dma_start3A_52 = tpu.memref_slice %arg9[%dma_start3A_51] : memref<2048xf32, #tpu.memory_space<vmem>> -> memref<128xf32, #tpu.memory_space<vmem>>
    %dma_start3A_53 = arith.constant 384 : i32
    %dma_start3A_54 = tpu.memref_slice %arg7[%dma_start3A_53] : memref<2048xi32, #tpu.memory_space<vmem>> -> memref<128xi32, #tpu.memory_space<vmem>>
    %dma_start3A_55 = arith.constant 0 : i32
    %dma_start3A_56 = tpu.memref_slice %arg11[%dma_start3A_55] : memref<114688xf32, #tpu.memory_space<vmem_shared>> -> memref<114688xf32, #tpu.memory_space<vmem_shared>>
    tpu.enqueue_indirect_dma source(%dma_start3A_56 : memref<114688xf32, #tpu.memory_space<vmem_shared>>) target(%dma_start3A_52 : memref<128xf32, #tpu.memory_space<vmem>>) offsets(%dma_start3A_54 : memref<128xi32, #tpu.memory_space<vmem>>) semaphore(%arg12 : memref<!tpu.dma_semaphore, #tpu.memory_space<semaphore_mem>>)
    %dma_start3A_57 = arith.constant 512 : i32
    %dma_start3A_58 = tpu.memref_slice %arg9[%dma_start3A_57] : memref<2048xf32, #tpu.memory_space<vmem>> -> memref<128xf32, #tpu.memory_space<vmem>>
    %dma_start3A_59 = arith.constant 512 : i32
    %dma_start3A_60 = tpu.memref_slice %arg7[%dma_start3A_59] : memref<2048xi32, #tpu.memory_space<vmem>> -> memref<128xi32, #tpu.memory_space<vmem>>
    %dma_start3A_61 = arith.constant 0 : i32
    %dma_start3A_62 = tpu.memref_slice %arg11[%dma_start3A_61] : memref<114688xf32, #tpu.memory_space<vmem_shared>> -> memref<114688xf32, #tpu.memory_space<vmem_shared>>
    tpu.enqueue_indirect_dma source(%dma_start3A_62 : memref<114688xf32, #tpu.memory_space<vmem_shared>>) target(%dma_start3A_58 : memref<128xf32, #tpu.memory_space<vmem>>) offsets(%dma_start3A_60 : memref<128xi32, #tpu.memory_space<vmem>>) semaphore(%arg12 : memref<!tpu.dma_semaphore, #tpu.memory_space<semaphore_mem>>)
    %dma_start3A_63 = arith.constant 640 : i32
    %dma_start3A_64 = tpu.memref_slice %arg9[%dma_start3A_63] : memref<2048xf32, #tpu.memory_space<vmem>> -> memref<128xf32, #tpu.memory_space<vmem>>
    %dma_start3A_65 = arith.constant 640 : i32
    %dma_start3A_66 = tpu.memref_slice %arg7[%dma_start3A_65] : memref<2048xi32, #tpu.memory_space<vmem>> -> memref<128xi32, #tpu.memory_space<vmem>>
    %dma_start3A_67 = arith.constant 0 : i32
    %dma_start3A_68 = tpu.memref_slice %arg11[%dma_start3A_67] : memref<114688xf32, #tpu.memory_space<vmem_shared>> -> memref<114688xf32, #tpu.memory_space<vmem_shared>>
    tpu.enqueue_indirect_dma source(%dma_start3A_68 : memref<114688xf32, #tpu.memory_space<vmem_shared>>) target(%dma_start3A_64 : memref<128xf32, #tpu.memory_space<vmem>>) offsets(%dma_start3A_66 : memref<128xi32, #tpu.memory_space<vmem>>) semaphore(%arg12 : memref<!tpu.dma_semaphore, #tpu.memory_space<semaphore_mem>>)
    %dma_start3A_69 = arith.constant 768 : i32
    %dma_start3A_70 = tpu.memref_slice %arg9[%dma_start3A_69] : memref<2048xf32, #tpu.memory_space<vmem>> -> memref<128xf32, #tpu.memory_space<vmem>>
    %dma_start3A_71 = arith.constant 768 : i32
    %dma_start3A_72 = tpu.memref_slice %arg7[%dma_start3A_71] : memref<2048xi32, #tpu.memory_space<vmem>> -> memref<128xi32, #tpu.memory_space<vmem>>
    %dma_start3A_73 = arith.constant 0 : i32
    %dma_start3A_74 = tpu.memref_slice %arg11[%dma_start3A_73] : memref<114688xf32, #tpu.memory_space<vmem_shared>> -> memref<114688xf32, #tpu.memory_space<vmem_shared>>
    tpu.enqueue_indirect_dma source(%dma_start3A_74 : memref<114688xf32, #tpu.memory_space<vmem_shared>>) target(%dma_start3A_70 : memref<128xf32, #tpu.memory_space<vmem>>) offsets(%dma_start3A_72 : memref<128xi32, #tpu.memory_space<vmem>>) semaphore(%arg12 : memref<!tpu.dma_semaphore, #tpu.memory_space<semaphore_mem>>)
    %dma_start3A_75 = arith.constant 896 : i32
    %dma_start3A_76 = tpu.memref_slice %arg9[%dma_start3A_75] : memref<2048xf32, #tpu.memory_space<vmem>> -> memref<128xf32, #tpu.memory_space<vmem>>
    %dma_start3A_77 = arith.constant 896 : i32
    %dma_start3A_78 = tpu.memref_slice %arg7[%dma_start3A_77] : memref<2048xi32, #tpu.memory_space<vmem>> -> memref<128xi32, #tpu.memory_space<vmem>>
    %dma_start3A_79 = arith.constant 0 : i32
    %dma_start3A_80 = tpu.memref_slice %arg11[%dma_start3A_79] : memref<114688xf32, #tpu.memory_space<vmem_shared>> -> memref<114688xf32, #tpu.memory_space<vmem_shared>>
    tpu.enqueue_indirect_dma source(%dma_start3A_80 : memref<114688xf32, #tpu.memory_space<vmem_shared>>) target(%dma_start3A_76 : memref<128xf32, #tpu.memory_space<vmem>>) offsets(%dma_start3A_78 : memref<128xi32, #tpu.memory_space<vmem>>) semaphore(%arg12 : memref<!tpu.dma_semaphore, #tpu.memory_space<semaphore_mem>>)
    %dma_start3A_81 = arith.constant 1024 : i32
    %dma_start3A_82 = tpu.memref_slice %arg9[%dma_start3A_81] : memref<2048xf32, #tpu.memory_space<vmem>> -> memref<128xf32, #tpu.memory_space<vmem>>
    %dma_start3A_83 = arith.constant 1024 : i32
    %dma_start3A_84 = tpu.memref_slice %arg7[%dma_start3A_83] : memref<2048xi32, #tpu.memory_space<vmem>> -> memref<128xi32, #tpu.memory_space<vmem>>
    %dma_start3A_85 = arith.constant 0 : i32
    %dma_start3A_86 = tpu.memref_slice %arg11[%dma_start3A_85] : memref<114688xf32, #tpu.memory_space<vmem_shared>> -> memref<114688xf32, #tpu.memory_space<vmem_shared>>
    tpu.enqueue_indirect_dma source(%dma_start3A_86 : memref<114688xf32, #tpu.memory_space<vmem_shared>>) target(%dma_start3A_82 : memref<128xf32, #tpu.memory_space<vmem>>) offsets(%dma_start3A_84 : memref<128xi32, #tpu.memory_space<vmem>>) semaphore(%arg12 : memref<!tpu.dma_semaphore, #tpu.memory_space<semaphore_mem>>)
    %dma_start3A_87 = arith.constant 1152 : i32
    %dma_start3A_88 = tpu.memref_slice %arg9[%dma_start3A_87] : memref<2048xf32, #tpu.memory_space<vmem>> -> memref<128xf32, #tpu.memory_space<vmem>>
    %dma_start3A_89 = arith.constant 1152 : i32
    %dma_start3A_90 = tpu.memref_slice %arg7[%dma_start3A_89] : memref<2048xi32, #tpu.memory_space<vmem>> -> memref<128xi32, #tpu.memory_space<vmem>>
    %dma_start3A_91 = arith.constant 0 : i32
    %dma_start3A_92 = tpu.memref_slice %arg11[%dma_start3A_91] : memref<114688xf32, #tpu.memory_space<vmem_shared>> -> memref<114688xf32, #tpu.memory_space<vmem_shared>>
    tpu.enqueue_indirect_dma source(%dma_start3A_92 : memref<114688xf32, #tpu.memory_space<vmem_shared>>) target(%dma_start3A_88 : memref<128xf32, #tpu.memory_space<vmem>>) offsets(%dma_start3A_90 : memref<128xi32, #tpu.memory_space<vmem>>) semaphore(%arg12 : memref<!tpu.dma_semaphore, #tpu.memory_space<semaphore_mem>>)
    %dma_start3A_93 = arith.constant 1280 : i32
    %dma_start3A_94 = tpu.memref_slice %arg9[%dma_start3A_93] : memref<2048xf32, #tpu.memory_space<vmem>> -> memref<128xf32, #tpu.memory_space<vmem>>
    %dma_start3A_95 = arith.constant 1280 : i32
    %dma_start3A_96 = tpu.memref_slice %arg7[%dma_start3A_95] : memref<2048xi32, #tpu.memory_space<vmem>> -> memref<128xi32, #tpu.memory_space<vmem>>
    %dma_start3A_97 = arith.constant 0 : i32
    %dma_start3A_98 = tpu.memref_slice %arg11[%dma_start3A_97] : memref<114688xf32, #tpu.memory_space<vmem_shared>> -> memref<114688xf32, #tpu.memory_space<vmem_shared>>
    tpu.enqueue_indirect_dma source(%dma_start3A_98 : memref<114688xf32, #tpu.memory_space<vmem_shared>>) target(%dma_start3A_94 : memref<128xf32, #tpu.memory_space<vmem>>) offsets(%dma_start3A_96 : memref<128xi32, #tpu.memory_space<vmem>>) semaphore(%arg12 : memref<!tpu.dma_semaphore, #tpu.memory_space<semaphore_mem>>)
    %dma_start3A_99 = arith.constant 1408 : i32
    %dma_start3A_100 = tpu.memref_slice %arg9[%dma_start3A_99] : memref<2048xf32, #tpu.memory_space<vmem>> -> memref<128xf32, #tpu.memory_space<vmem>>
    %dma_start3A_101 = arith.constant 1408 : i32
    %dma_start3A_102 = tpu.memref_slice %arg7[%dma_start3A_101] : memref<2048xi32, #tpu.memory_space<vmem>> -> memref<128xi32, #tpu.memory_space<vmem>>
    %dma_start3A_103 = arith.constant 0 : i32
    %dma_start3A_104 = tpu.memref_slice %arg11[%dma_start3A_103] : memref<114688xf32, #tpu.memory_space<vmem_shared>> -> memref<114688xf32, #tpu.memory_space<vmem_shared>>
    tpu.enqueue_indirect_dma source(%dma_start3A_104 : memref<114688xf32, #tpu.memory_space<vmem_shared>>) target(%dma_start3A_100 : memref<128xf32, #tpu.memory_space<vmem>>) offsets(%dma_start3A_102 : memref<128xi32, #tpu.memory_space<vmem>>) semaphore(%arg12 : memref<!tpu.dma_semaphore, #tpu.memory_space<semaphore_mem>>)
    %dma_start3A_105 = arith.constant 1536 : i32
    %dma_start3A_106 = tpu.memref_slice %arg9[%dma_start3A_105] : memref<2048xf32, #tpu.memory_space<vmem>> -> memref<128xf32, #tpu.memory_space<vmem>>
    %dma_start3A_107 = arith.constant 1536 : i32
    %dma_start3A_108 = tpu.memref_slice %arg7[%dma_start3A_107] : memref<2048xi32, #tpu.memory_space<vmem>> -> memref<128xi32, #tpu.memory_space<vmem>>
    %dma_start3A_109 = arith.constant 0 : i32
    %dma_start3A_110 = tpu.memref_slice %arg11[%dma_start3A_109] : memref<114688xf32, #tpu.memory_space<vmem_shared>> -> memref<114688xf32, #tpu.memory_space<vmem_shared>>
    tpu.enqueue_indirect_dma source(%dma_start3A_110 : memref<114688xf32, #tpu.memory_space<vmem_shared>>) target(%dma_start3A_106 : memref<128xf32, #tpu.memory_space<vmem>>) offsets(%dma_start3A_108 : memref<128xi32, #tpu.memory_space<vmem>>) semaphore(%arg12 : memref<!tpu.dma_semaphore, #tpu.memory_space<semaphore_mem>>)
    %dma_start3A_111 = arith.constant 1664 : i32
    %dma_start3A_112 = tpu.memref_slice %arg9[%dma_start3A_111] : memref<2048xf32, #tpu.memory_space<vmem>> -> memref<128xf32, #tpu.memory_space<vmem>>
    %dma_start3A_113 = arith.constant 1664 : i32
    %dma_start3A_114 = tpu.memref_slice %arg7[%dma_start3A_113] : memref<2048xi32, #tpu.memory_space<vmem>> -> memref<128xi32, #tpu.memory_space<vmem>>
    %dma_start3A_115 = arith.constant 0 : i32
    %dma_start3A_116 = tpu.memref_slice %arg11[%dma_start3A_115] : memref<114688xf32, #tpu.memory_space<vmem_shared>> -> memref<114688xf32, #tpu.memory_space<vmem_shared>>
    tpu.enqueue_indirect_dma source(%dma_start3A_116 : memref<114688xf32, #tpu.memory_space<vmem_shared>>) target(%dma_start3A_112 : memref<128xf32, #tpu.memory_space<vmem>>) offsets(%dma_start3A_114 : memref<128xi32, #tpu.memory_space<vmem>>) semaphore(%arg12 : memref<!tpu.dma_semaphore, #tpu.memory_space<semaphore_mem>>)
    %dma_start3A_117 = arith.constant 1792 : i32
    %dma_start3A_118 = tpu.memref_slice %arg9[%dma_start3A_117] : memref<2048xf32, #tpu.memory_space<vmem>> -> memref<128xf32, #tpu.memory_space<vmem>>
    %dma_start3A_119 = arith.constant 1792 : i32
    %dma_start3A_120 = tpu.memref_slice %arg7[%dma_start3A_119] : memref<2048xi32, #tpu.memory_space<vmem>> -> memref<128xi32, #tpu.memory_space<vmem>>
    %dma_start3A_121 = arith.constant 0 : i32
    %dma_start3A_122 = tpu.memref_slice %arg11[%dma_start3A_121] : memref<114688xf32, #tpu.memory_space<vmem_shared>> -> memref<114688xf32, #tpu.memory_space<vmem_shared>>
    tpu.enqueue_indirect_dma source(%dma_start3A_122 : memref<114688xf32, #tpu.memory_space<vmem_shared>>) target(%dma_start3A_118 : memref<128xf32, #tpu.memory_space<vmem>>) offsets(%dma_start3A_120 : memref<128xi32, #tpu.memory_space<vmem>>) semaphore(%arg12 : memref<!tpu.dma_semaphore, #tpu.memory_space<semaphore_mem>>)
    %dma_start3A_123 = arith.constant 1920 : i32
    %dma_start3A_124 = tpu.memref_slice %arg9[%dma_start3A_123] : memref<2048xf32, #tpu.memory_space<vmem>> -> memref<128xf32, #tpu.memory_space<vmem>>
    %dma_start3A_125 = arith.constant 1920 : i32
    %dma_start3A_126 = tpu.memref_slice %arg7[%dma_start3A_125] : memref<2048xi32, #tpu.memory_space<vmem>> -> memref<128xi32, #tpu.memory_space<vmem>>
    %dma_start3A_127 = arith.constant 0 : i32
    %dma_start3A_128 = tpu.memref_slice %arg11[%dma_start3A_127] : memref<114688xf32, #tpu.memory_space<vmem_shared>> -> memref<114688xf32, #tpu.memory_space<vmem_shared>>
    tpu.enqueue_indirect_dma source(%dma_start3A_128 : memref<114688xf32, #tpu.memory_space<vmem_shared>>) target(%dma_start3A_124 : memref<128xf32, #tpu.memory_space<vmem>>) offsets(%dma_start3A_126 : memref<128xi32, #tpu.memory_space<vmem>>) semaphore(%arg12 : memref<!tpu.dma_semaphore, #tpu.memory_space<semaphore_mem>>)
    %dma_wait3A = arith.constant 0 : i32
    %dma_wait3A_129 = tpu.memref_slice %arg8[%dma_wait3A] : memref<512xf32, #tpu.memory_space<vmem>> -> memref<128xf32, #tpu.memory_space<vmem>>
    %dma_wait3A_130 = arith.constant 0 : i32
    %dma_wait3A_131 = tpu.memref_slice %arg6[%dma_wait3A_130] : memref<512xi32, #tpu.memory_space<vmem>> -> memref<128xi32, #tpu.memory_space<vmem>>
    %dma_wait3A_132 = arith.constant 0 : i32
    %dma_wait3A_133 = tpu.memref_slice %arg11[%dma_wait3A_132] : memref<114688xf32, #tpu.memory_space<vmem_shared>> -> memref<114688xf32, #tpu.memory_space<vmem_shared>>
    tpu.wait_indirect_dma semaphore(%arg12 : memref<!tpu.dma_semaphore, #tpu.memory_space<semaphore_mem>>) src(%dma_wait3A_133 : memref<114688xf32, #tpu.memory_space<vmem_shared>>) dst(%dma_wait3A_129 : memref<128xf32, #tpu.memory_space<vmem>>)
    %dma_wait3A_134 = arith.constant 128 : i32
    %dma_wait3A_135 = tpu.memref_slice %arg8[%dma_wait3A_134] : memref<512xf32, #tpu.memory_space<vmem>> -> memref<128xf32, #tpu.memory_space<vmem>>
    %dma_wait3A_136 = arith.constant 128 : i32
    %dma_wait3A_137 = tpu.memref_slice %arg6[%dma_wait3A_136] : memref<512xi32, #tpu.memory_space<vmem>> -> memref<128xi32, #tpu.memory_space<vmem>>
    %dma_wait3A_138 = arith.constant 0 : i32
    %dma_wait3A_139 = tpu.memref_slice %arg11[%dma_wait3A_138] : memref<114688xf32, #tpu.memory_space<vmem_shared>> -> memref<114688xf32, #tpu.memory_space<vmem_shared>>
    tpu.wait_indirect_dma semaphore(%arg12 : memref<!tpu.dma_semaphore, #tpu.memory_space<semaphore_mem>>) src(%dma_wait3A_139 : memref<114688xf32, #tpu.memory_space<vmem_shared>>) dst(%dma_wait3A_135 : memref<128xf32, #tpu.memory_space<vmem>>)
    %dma_wait3A_140 = arith.constant 256 : i32
    %dma_wait3A_141 = tpu.memref_slice %arg8[%dma_wait3A_140] : memref<512xf32, #tpu.memory_space<vmem>> -> memref<128xf32, #tpu.memory_space<vmem>>
    %dma_wait3A_142 = arith.constant 256 : i32
    %dma_wait3A_143 = tpu.memref_slice %arg6[%dma_wait3A_142] : memref<512xi32, #tpu.memory_space<vmem>> -> memref<128xi32, #tpu.memory_space<vmem>>
    %dma_wait3A_144 = arith.constant 0 : i32
    %dma_wait3A_145 = tpu.memref_slice %arg11[%dma_wait3A_144] : memref<114688xf32, #tpu.memory_space<vmem_shared>> -> memref<114688xf32, #tpu.memory_space<vmem_shared>>
    tpu.wait_indirect_dma semaphore(%arg12 : memref<!tpu.dma_semaphore, #tpu.memory_space<semaphore_mem>>) src(%dma_wait3A_145 : memref<114688xf32, #tpu.memory_space<vmem_shared>>) dst(%dma_wait3A_141 : memref<128xf32, #tpu.memory_space<vmem>>)
    %dma_wait3A_146 = arith.constant 384 : i32
    %dma_wait3A_147 = tpu.memref_slice %arg8[%dma_wait3A_146] : memref<512xf32, #tpu.memory_space<vmem>> -> memref<128xf32, #tpu.memory_space<vmem>>
    %dma_wait3A_148 = arith.constant 384 : i32
    %dma_wait3A_149 = tpu.memref_slice %arg6[%dma_wait3A_148] : memref<512xi32, #tpu.memory_space<vmem>> -> memref<128xi32, #tpu.memory_space<vmem>>
    %dma_wait3A_150 = arith.constant 0 : i32
    %dma_wait3A_151 = tpu.memref_slice %arg11[%dma_wait3A_150] : memref<114688xf32, #tpu.memory_space<vmem_shared>> -> memref<114688xf32, #tpu.memory_space<vmem_shared>>
    tpu.wait_indirect_dma semaphore(%arg12 : memref<!tpu.dma_semaphore, #tpu.memory_space<semaphore_mem>>) src(%dma_wait3A_151 : memref<114688xf32, #tpu.memory_space<vmem_shared>>) dst(%dma_wait3A_147 : memref<128xf32, #tpu.memory_space<vmem>>)
    %dma_wait3A_152 = arith.constant 0 : i32
    %dma_wait3A_153 = tpu.memref_slice %arg9[%dma_wait3A_152] : memref<2048xf32, #tpu.memory_space<vmem>> -> memref<128xf32, #tpu.memory_space<vmem>>
    %dma_wait3A_154 = arith.constant 0 : i32
    %dma_wait3A_155 = tpu.memref_slice %arg7[%dma_wait3A_154] : memref<2048xi32, #tpu.memory_space<vmem>> -> memref<128xi32, #tpu.memory_space<vmem>>
    %dma_wait3A_156 = arith.constant 0 : i32
    %dma_wait3A_157 = tpu.memref_slice %arg11[%dma_wait3A_156] : memref<114688xf32, #tpu.memory_space<vmem_shared>> -> memref<114688xf32, #tpu.memory_space<vmem_shared>>
    tpu.wait_indirect_dma semaphore(%arg12 : memref<!tpu.dma_semaphore, #tpu.memory_space<semaphore_mem>>) src(%dma_wait3A_157 : memref<114688xf32, #tpu.memory_space<vmem_shared>>) dst(%dma_wait3A_153 : memref<128xf32, #tpu.memory_space<vmem>>)
    %dma_wait3A_158 = arith.constant 128 : i32
    %dma_wait3A_159 = tpu.memref_slice %arg9[%dma_wait3A_158] : memref<2048xf32, #tpu.memory_space<vmem>> -> memref<128xf32, #tpu.memory_space<vmem>>
    %dma_wait3A_160 = arith.constant 128 : i32
    %dma_wait3A_161 = tpu.memref_slice %arg7[%dma_wait3A_160] : memref<2048xi32, #tpu.memory_space<vmem>> -> memref<128xi32, #tpu.memory_space<vmem>>
    %dma_wait3A_162 = arith.constant 0 : i32
    %dma_wait3A_163 = tpu.memref_slice %arg11[%dma_wait3A_162] : memref<114688xf32, #tpu.memory_space<vmem_shared>> -> memref<114688xf32, #tpu.memory_space<vmem_shared>>
    tpu.wait_indirect_dma semaphore(%arg12 : memref<!tpu.dma_semaphore, #tpu.memory_space<semaphore_mem>>) src(%dma_wait3A_163 : memref<114688xf32, #tpu.memory_space<vmem_shared>>) dst(%dma_wait3A_159 : memref<128xf32, #tpu.memory_space<vmem>>)
    %dma_wait3A_164 = arith.constant 256 : i32
    %dma_wait3A_165 = tpu.memref_slice %arg9[%dma_wait3A_164] : memref<2048xf32, #tpu.memory_space<vmem>> -> memref<128xf32, #tpu.memory_space<vmem>>
    %dma_wait3A_166 = arith.constant 256 : i32
    %dma_wait3A_167 = tpu.memref_slice %arg7[%dma_wait3A_166] : memref<2048xi32, #tpu.memory_space<vmem>> -> memref<128xi32, #tpu.memory_space<vmem>>
    %dma_wait3A_168 = arith.constant 0 : i32
    %dma_wait3A_169 = tpu.memref_slice %arg11[%dma_wait3A_168] : memref<114688xf32, #tpu.memory_space<vmem_shared>> -> memref<114688xf32, #tpu.memory_space<vmem_shared>>
    tpu.wait_indirect_dma semaphore(%arg12 : memref<!tpu.dma_semaphore, #tpu.memory_space<semaphore_mem>>) src(%dma_wait3A_169 : memref<114688xf32, #tpu.memory_space<vmem_shared>>) dst(%dma_wait3A_165 : memref<128xf32, #tpu.memory_space<vmem>>)
    %dma_wait3A_170 = arith.constant 384 : i32
    %dma_wait3A_171 = tpu.memref_slice %arg9[%dma_wait3A_170] : memref<2048xf32, #tpu.memory_space<vmem>> -> memref<128xf32, #tpu.memory_space<vmem>>
    %dma_wait3A_172 = arith.constant 384 : i32
    %dma_wait3A_173 = tpu.memref_slice %arg7[%dma_wait3A_172] : memref<2048xi32, #tpu.memory_space<vmem>> -> memref<128xi32, #tpu.memory_space<vmem>>
    %dma_wait3A_174 = arith.constant 0 : i32
    %dma_wait3A_175 = tpu.memref_slice %arg11[%dma_wait3A_174] : memref<114688xf32, #tpu.memory_space<vmem_shared>> -> memref<114688xf32, #tpu.memory_space<vmem_shared>>
    tpu.wait_indirect_dma semaphore(%arg12 : memref<!tpu.dma_semaphore, #tpu.memory_space<semaphore_mem>>) src(%dma_wait3A_175 : memref<114688xf32, #tpu.memory_space<vmem_shared>>) dst(%dma_wait3A_171 : memref<128xf32, #tpu.memory_space<vmem>>)
    %dma_wait3A_176 = arith.constant 512 : i32
    %dma_wait3A_177 = tpu.memref_slice %arg9[%dma_wait3A_176] : memref<2048xf32, #tpu.memory_space<vmem>> -> memref<128xf32, #tpu.memory_space<vmem>>
    %dma_wait3A_178 = arith.constant 512 : i32
    %dma_wait3A_179 = tpu.memref_slice %arg7[%dma_wait3A_178] : memref<2048xi32, #tpu.memory_space<vmem>> -> memref<128xi32, #tpu.memory_space<vmem>>
    %dma_wait3A_180 = arith.constant 0 : i32
    %dma_wait3A_181 = tpu.memref_slice %arg11[%dma_wait3A_180] : memref<114688xf32, #tpu.memory_space<vmem_shared>> -> memref<114688xf32, #tpu.memory_space<vmem_shared>>
    tpu.wait_indirect_dma semaphore(%arg12 : memref<!tpu.dma_semaphore, #tpu.memory_space<semaphore_mem>>) src(%dma_wait3A_181 : memref<114688xf32, #tpu.memory_space<vmem_shared>>) dst(%dma_wait3A_177 : memref<128xf32, #tpu.memory_space<vmem>>)
    %dma_wait3A_182 = arith.constant 640 : i32
    %dma_wait3A_183 = tpu.memref_slice %arg9[%dma_wait3A_182] : memref<2048xf32, #tpu.memory_space<vmem>> -> memref<128xf32, #tpu.memory_space<vmem>>
    %dma_wait3A_184 = arith.constant 640 : i32
    %dma_wait3A_185 = tpu.memref_slice %arg7[%dma_wait3A_184] : memref<2048xi32, #tpu.memory_space<vmem>> -> memref<128xi32, #tpu.memory_space<vmem>>
    %dma_wait3A_186 = arith.constant 0 : i32
    %dma_wait3A_187 = tpu.memref_slice %arg11[%dma_wait3A_186] : memref<114688xf32, #tpu.memory_space<vmem_shared>> -> memref<114688xf32, #tpu.memory_space<vmem_shared>>
    tpu.wait_indirect_dma semaphore(%arg12 : memref<!tpu.dma_semaphore, #tpu.memory_space<semaphore_mem>>) src(%dma_wait3A_187 : memref<114688xf32, #tpu.memory_space<vmem_shared>>) dst(%dma_wait3A_183 : memref<128xf32, #tpu.memory_space<vmem>>)
    %dma_wait3A_188 = arith.constant 768 : i32
    %dma_wait3A_189 = tpu.memref_slice %arg9[%dma_wait3A_188] : memref<2048xf32, #tpu.memory_space<vmem>> -> memref<128xf32, #tpu.memory_space<vmem>>
    %dma_wait3A_190 = arith.constant 768 : i32
    %dma_wait3A_191 = tpu.memref_slice %arg7[%dma_wait3A_190] : memref<2048xi32, #tpu.memory_space<vmem>> -> memref<128xi32, #tpu.memory_space<vmem>>
    %dma_wait3A_192 = arith.constant 0 : i32
    %dma_wait3A_193 = tpu.memref_slice %arg11[%dma_wait3A_192] : memref<114688xf32, #tpu.memory_space<vmem_shared>> -> memref<114688xf32, #tpu.memory_space<vmem_shared>>
    tpu.wait_indirect_dma semaphore(%arg12 : memref<!tpu.dma_semaphore, #tpu.memory_space<semaphore_mem>>) src(%dma_wait3A_193 : memref<114688xf32, #tpu.memory_space<vmem_shared>>) dst(%dma_wait3A_189 : memref<128xf32, #tpu.memory_space<vmem>>)
    %dma_wait3A_194 = arith.constant 896 : i32
    %dma_wait3A_195 = tpu.memref_slice %arg9[%dma_wait3A_194] : memref<2048xf32, #tpu.memory_space<vmem>> -> memref<128xf32, #tpu.memory_space<vmem>>
    %dma_wait3A_196 = arith.constant 896 : i32
    %dma_wait3A_197 = tpu.memref_slice %arg7[%dma_wait3A_196] : memref<2048xi32, #tpu.memory_space<vmem>> -> memref<128xi32, #tpu.memory_space<vmem>>
    %dma_wait3A_198 = arith.constant 0 : i32
    %dma_wait3A_199 = tpu.memref_slice %arg11[%dma_wait3A_198] : memref<114688xf32, #tpu.memory_space<vmem_shared>> -> memref<114688xf32, #tpu.memory_space<vmem_shared>>
    tpu.wait_indirect_dma semaphore(%arg12 : memref<!tpu.dma_semaphore, #tpu.memory_space<semaphore_mem>>) src(%dma_wait3A_199 : memref<114688xf32, #tpu.memory_space<vmem_shared>>) dst(%dma_wait3A_195 : memref<128xf32, #tpu.memory_space<vmem>>)
    %dma_wait3A_200 = arith.constant 1024 : i32
    %dma_wait3A_201 = tpu.memref_slice %arg9[%dma_wait3A_200] : memref<2048xf32, #tpu.memory_space<vmem>> -> memref<128xf32, #tpu.memory_space<vmem>>
    %dma_wait3A_202 = arith.constant 1024 : i32
    %dma_wait3A_203 = tpu.memref_slice %arg7[%dma_wait3A_202] : memref<2048xi32, #tpu.memory_space<vmem>> -> memref<128xi32, #tpu.memory_space<vmem>>
    %dma_wait3A_204 = arith.constant 0 : i32
    %dma_wait3A_205 = tpu.memref_slice %arg11[%dma_wait3A_204] : memref<114688xf32, #tpu.memory_space<vmem_shared>> -> memref<114688xf32, #tpu.memory_space<vmem_shared>>
    tpu.wait_indirect_dma semaphore(%arg12 : memref<!tpu.dma_semaphore, #tpu.memory_space<semaphore_mem>>) src(%dma_wait3A_205 : memref<114688xf32, #tpu.memory_space<vmem_shared>>) dst(%dma_wait3A_201 : memref<128xf32, #tpu.memory_space<vmem>>)
    %dma_wait3A_206 = arith.constant 1152 : i32
    %dma_wait3A_207 = tpu.memref_slice %arg9[%dma_wait3A_206] : memref<2048xf32, #tpu.memory_space<vmem>> -> memref<128xf32, #tpu.memory_space<vmem>>
    %dma_wait3A_208 = arith.constant 1152 : i32
    %dma_wait3A_209 = tpu.memref_slice %arg7[%dma_wait3A_208] : memref<2048xi32, #tpu.memory_space<vmem>> -> memref<128xi32, #tpu.memory_space<vmem>>
    %dma_wait3A_210 = arith.constant 0 : i32
    %dma_wait3A_211 = tpu.memref_slice %arg11[%dma_wait3A_210] : memref<114688xf32, #tpu.memory_space<vmem_shared>> -> memref<114688xf32, #tpu.memory_space<vmem_shared>>
    tpu.wait_indirect_dma semaphore(%arg12 : memref<!tpu.dma_semaphore, #tpu.memory_space<semaphore_mem>>) src(%dma_wait3A_211 : memref<114688xf32, #tpu.memory_space<vmem_shared>>) dst(%dma_wait3A_207 : memref<128xf32, #tpu.memory_space<vmem>>)
    %dma_wait3A_212 = arith.constant 1280 : i32
    %dma_wait3A_213 = tpu.memref_slice %arg9[%dma_wait3A_212] : memref<2048xf32, #tpu.memory_space<vmem>> -> memref<128xf32, #tpu.memory_space<vmem>>
    %dma_wait3A_214 = arith.constant 1280 : i32
    %dma_wait3A_215 = tpu.memref_slice %arg7[%dma_wait3A_214] : memref<2048xi32, #tpu.memory_space<vmem>> -> memref<128xi32, #tpu.memory_space<vmem>>
    %dma_wait3A_216 = arith.constant 0 : i32
    %dma_wait3A_217 = tpu.memref_slice %arg11[%dma_wait3A_216] : memref<114688xf32, #tpu.memory_space<vmem_shared>> -> memref<114688xf32, #tpu.memory_space<vmem_shared>>
    tpu.wait_indirect_dma semaphore(%arg12 : memref<!tpu.dma_semaphore, #tpu.memory_space<semaphore_mem>>) src(%dma_wait3A_217 : memref<114688xf32, #tpu.memory_space<vmem_shared>>) dst(%dma_wait3A_213 : memref<128xf32, #tpu.memory_space<vmem>>)
    %dma_wait3A_218 = arith.constant 1408 : i32
    %dma_wait3A_219 = tpu.memref_slice %arg9[%dma_wait3A_218] : memref<2048xf32, #tpu.memory_space<vmem>> -> memref<128xf32, #tpu.memory_space<vmem>>
    %dma_wait3A_220 = arith.constant 1408 : i32
    %dma_wait3A_221 = tpu.memref_slice %arg7[%dma_wait3A_220] : memref<2048xi32, #tpu.memory_space<vmem>> -> memref<128xi32, #tpu.memory_space<vmem>>
    %dma_wait3A_222 = arith.constant 0 : i32
    %dma_wait3A_223 = tpu.memref_slice %arg11[%dma_wait3A_222] : memref<114688xf32, #tpu.memory_space<vmem_shared>> -> memref<114688xf32, #tpu.memory_space<vmem_shared>>
    tpu.wait_indirect_dma semaphore(%arg12 : memref<!tpu.dma_semaphore, #tpu.memory_space<semaphore_mem>>) src(%dma_wait3A_223 : memref<114688xf32, #tpu.memory_space<vmem_shared>>) dst(%dma_wait3A_219 : memref<128xf32, #tpu.memory_space<vmem>>)
    %dma_wait3A_224 = arith.constant 1536 : i32
    %dma_wait3A_225 = tpu.memref_slice %arg9[%dma_wait3A_224] : memref<2048xf32, #tpu.memory_space<vmem>> -> memref<128xf32, #tpu.memory_space<vmem>>
    %dma_wait3A_226 = arith.constant 1536 : i32
    %dma_wait3A_227 = tpu.memref_slice %arg7[%dma_wait3A_226] : memref<2048xi32, #tpu.memory_space<vmem>> -> memref<128xi32, #tpu.memory_space<vmem>>
    %dma_wait3A_228 = arith.constant 0 : i32
    %dma_wait3A_229 = tpu.memref_slice %arg11[%dma_wait3A_228] : memref<114688xf32, #tpu.memory_space<vmem_shared>> -> memref<114688xf32, #tpu.memory_space<vmem_shared>>
    tpu.wait_indirect_dma semaphore(%arg12 : memref<!tpu.dma_semaphore, #tpu.memory_space<semaphore_mem>>) src(%dma_wait3A_229 : memref<114688xf32, #tpu.memory_space<vmem_shared>>) dst(%dma_wait3A_225 : memref<128xf32, #tpu.memory_space<vmem>>)
    %dma_wait3A_230 = arith.constant 1664 : i32
    %dma_wait3A_231 = tpu.memref_slice %arg9[%dma_wait3A_230] : memref<2048xf32, #tpu.memory_space<vmem>> -> memref<128xf32, #tpu.memory_space<vmem>>
    %dma_wait3A_232 = arith.constant 1664 : i32
    %dma_wait3A_233 = tpu.memref_slice %arg7[%dma_wait3A_232] : memref<2048xi32, #tpu.memory_space<vmem>> -> memref<128xi32, #tpu.memory_space<vmem>>
    %dma_wait3A_234 = arith.constant 0 : i32
    %dma_wait3A_235 = tpu.memref_slice %arg11[%dma_wait3A_234] : memref<114688xf32, #tpu.memory_space<vmem_shared>> -> memref<114688xf32, #tpu.memory_space<vmem_shared>>
    tpu.wait_indirect_dma semaphore(%arg12 : memref<!tpu.dma_semaphore, #tpu.memory_space<semaphore_mem>>) src(%dma_wait3A_235 : memref<114688xf32, #tpu.memory_space<vmem_shared>>) dst(%dma_wait3A_231 : memref<128xf32, #tpu.memory_space<vmem>>)
    %dma_wait3A_236 = arith.constant 1792 : i32
    %dma_wait3A_237 = tpu.memref_slice %arg9[%dma_wait3A_236] : memref<2048xf32, #tpu.memory_space<vmem>> -> memref<128xf32, #tpu.memory_space<vmem>>
    %dma_wait3A_238 = arith.constant 1792 : i32
    %dma_wait3A_239 = tpu.memref_slice %arg7[%dma_wait3A_238] : memref<2048xi32, #tpu.memory_space<vmem>> -> memref<128xi32, #tpu.memory_space<vmem>>
    %dma_wait3A_240 = arith.constant 0 : i32
    %dma_wait3A_241 = tpu.memref_slice %arg11[%dma_wait3A_240] : memref<114688xf32, #tpu.memory_space<vmem_shared>> -> memref<114688xf32, #tpu.memory_space<vmem_shared>>
    tpu.wait_indirect_dma semaphore(%arg12 : memref<!tpu.dma_semaphore, #tpu.memory_space<semaphore_mem>>) src(%dma_wait3A_241 : memref<114688xf32, #tpu.memory_space<vmem_shared>>) dst(%dma_wait3A_237 : memref<128xf32, #tpu.memory_space<vmem>>)
    %dma_wait3A_242 = arith.constant 1920 : i32
    %dma_wait3A_243 = tpu.memref_slice %arg9[%dma_wait3A_242] : memref<2048xf32, #tpu.memory_space<vmem>> -> memref<128xf32, #tpu.memory_space<vmem>>
    %dma_wait3A_244 = arith.constant 1920 : i32
    %dma_wait3A_245 = tpu.memref_slice %arg7[%dma_wait3A_244] : memref<2048xi32, #tpu.memory_space<vmem>> -> memref<128xi32, #tpu.memory_space<vmem>>
    %dma_wait3A_246 = arith.constant 0 : i32
    %dma_wait3A_247 = tpu.memref_slice %arg11[%dma_wait3A_246] : memref<114688xf32, #tpu.memory_space<vmem_shared>> -> memref<114688xf32, #tpu.memory_space<vmem_shared>>
    tpu.wait_indirect_dma semaphore(%arg12 : memref<!tpu.dma_semaphore, #tpu.memory_space<semaphore_mem>>) src(%dma_wait3A_247 : memref<114688xf32, #tpu.memory_space<vmem_shared>>) dst(%dma_wait3A_243 : memref<128xf32, #tpu.memory_space<vmem>>)
    %scan3A = arith.constant 0 : i32
    %scan3A_248 = arith.constant 32 : i32
    %scan3A_249 = arith.addi %scan3A, %scan3A_248 : i32
    %scan3A_250 = arith.constant 1 : i32
    %scan3A_251 = scf.for %scan3A_270 = %scan3A to %scan3A_249 step %scan3A_250 iter_args(%scan3A_271 = %broadcast_in_dim3A_9) -> (vector<16xf32>)  : i32 {
      %mul3A_272 = arith.constant 16 : i32
      %mul3A_273 = arith.muli %scan3A_270, %mul3A_272 : i32
      %multiple_of3A = tpu.assume_multiple %mul3A_273, 16 : i32
      %get3A = arith.index_cast %multiple_of3A : i32 to index
      %get3A_274 = tpu.vector_load %arg8[%get3A] {strides = array<i32>} : memref<512xf32, #tpu.memory_space<vmem>>, vector<16xf32>,
      %get3A_275 = vector.shape_cast %get3A_274 : vector<16xf32> to vector<16xf32>
      %add3A_276 = arith.addf %scan3A_271, %get3A_275 : vector<16xf32>
      scf.yield %add3A_276 : vector<16xf32>
    }
    %scan3A_252 = arith.constant 32 : i32
    %scan3A_253 = arith.constant 0 : i32
    %scan3A_254 = arith.constant 128 : i32
    %scan3A_255 = arith.addi %scan3A_253, %scan3A_254 : i32
    %scan3A_256 = arith.constant 1 : i32
    %scan3A_257 = scf.for %scan3A_270 = %scan3A_253 to %scan3A_255 step %scan3A_256 iter_args(%scan3A_271 = %broadcast_in_dim3A_9) -> (vector<16xf32>)  : i32 {
      %mul3A_272 = arith.constant 16 : i32
      %mul3A_273 = arith.muli %scan3A_270, %mul3A_272 : i32
      %multiple_of3A = tpu.assume_multiple %mul3A_273, 16 : i32
      %get3A = arith.index_cast %multiple_of3A : i32 to index
      %get3A_274 = tpu.vector_load %arg9[%get3A] {strides = array<i32>} : memref<2048xf32, #tpu.memory_space<vmem>>, vector<16xf32>,
      %get3A_275 = vector.shape_cast %get3A_274 : vector<16xf32> to vector<16xf32>
      %add3A_276 = arith.addf %scan3A_271, %get3A_275 : vector<16xf32>
      scf.yield %add3A_276 : vector<16xf32>
    }
    %scan3A_258 = arith.constant 128 : i32
    %swap3A = arith.constant 0 : i32
    %swap3A_259 = arith.index_cast %swap3A : i32 to index
    %swap3A_260 = arith.constant 0 : index
    %swap3A_261 = tpu.vector_load %arg10[%swap3A_259, %swap3A_260] {strides = array<i32>} : memref<2x16xf32, #tpu.memory_space<vmem>>, vector<1x16xf32>,
    %swap3A_262 = vector.shape_cast %swap3A_261 : vector<1x16xf32> to vector<16xf32>
    %swap3A_263 = vector.shape_cast %scan3A_251 : vector<16xf32> to vector<1x16xf32>
    tpu.vector_store %arg10[%swap3A_259, %swap3A_260], %swap3A_263 {strides = array<i32>} : memref<2x16xf32, #tpu.memory_space<vmem>>, vector<1x16xf32>,
    %swap3A_264 = arith.constant 1 : i32
    %swap3A_265 = arith.index_cast %swap3A_264 : i32 to index
    %swap3A_266 = arith.constant 0 : index
    %swap3A_267 = tpu.vector_load %arg10[%swap3A_265, %swap3A_266] {strides = array<i32>} : memref<2x16xf32, #tpu.memory_space<vmem>>, vector<1x16xf32>,
    %swap3A_268 = vector.shape_cast %swap3A_267 : vector<1x16xf32> to vector<16xf32>
    %swap3A_269 = vector.shape_cast %scan3A_257 : vector<16xf32> to vector<1x16xf32>
    tpu.vector_store %arg10[%swap3A_265, %swap3A_266], %swap3A_269 {strides = array<i32>} : memref<2x16xf32, #tpu.memory_space<vmem>>, vector<1x16xf32>,
    "tpu.region"() ({
      %run_scoped3A = tpu.sem_alloc : memref<!tpu.dma_semaphore, #tpu.memory_space<semaphore_mem>>
      %dma_start3A_270 = arith.constant 0 : i32
      %dma_start3A_271 = arith.constant 0 : i32
      %dma_start3A_272 = tpu.memref_slice %arg5[%add3A, %dma_start3A_270, %dma_start3A_271] : memref<32x2x16xf32, #tpu.memory_space<hbm>> -> memref<1x2x16xf32, #tpu.memory_space<hbm>>
      %dma_start3A_273 = tpu.memref_squeeze %dma_start3A_272 : memref<1x2x16xf32, #tpu.memory_space<hbm>> -> memref<2x16xf32, #tpu.memory_space<hbm>>
      %dma_start3A_274 = arith.constant 0 : i32
      %dma_start3A_275 = arith.constant 0 : i32
      %dma_start3A_276 = tpu.memref_slice %arg5[%add3A, %dma_start3A_274, %dma_start3A_275] : memref<32x2x16xf32, #tpu.memory_space<hbm>> -> memref<1x2x16xf32, #tpu.memory_space<hbm>>
      %dma_start3A_277 = tpu.memref_squeeze %dma_start3A_276 : memref<1x2x16xf32, #tpu.memory_space<hbm>> -> memref<2x16xf32, #tpu.memory_space<hbm>>
      tpu.enqueue_dma source(%arg10 : memref<2x16xf32, #tpu.memory_space<vmem>>) target(%dma_start3A_277 : memref<2x16xf32, #tpu.memory_space<hbm>>) target_semaphore(%run_scoped3A : memref<!tpu.dma_semaphore, #tpu.memory_space<semaphore_mem>>)
      %dma_wait3A_278 = arith.constant 0 : i32
      %dma_wait3A_279 = arith.constant 0 : i32
      %dma_wait3A_280 = tpu.memref_slice %arg5[%add3A, %dma_wait3A_278, %dma_wait3A_279] : memref<32x2x16xf32, #tpu.memory_space<hbm>> -> memref<1x2x16xf32, #tpu.memory_space<hbm>>
      %dma_wait3A_281 = tpu.memref_squeeze %dma_wait3A_280 : memref<1x2x16xf32, #tpu.memory_space<hbm>> -> memref<2x16xf32, #tpu.memory_space<hbm>>
      %dma_wait3A_282 = arith.constant 0 : i32
      %dma_wait3A_283 = arith.constant 0 : i32
      %dma_wait3A_284 = tpu.memref_slice %arg5[%add3A, %dma_wait3A_282, %dma_wait3A_283] : memref<32x2x16xf32, #tpu.memory_space<hbm>> -> memref<1x2x16xf32, #tpu.memory_space<hbm>>
      %dma_wait3A_285 = tpu.memref_squeeze %dma_wait3A_284 : memref<1x2x16xf32, #tpu.memory_space<hbm>> -> memref<2x16xf32, #tpu.memory_space<hbm>>
      tpu.wait_dma2 semaphore(%run_scoped3A : memref<!tpu.dma_semaphore, #tpu.memory_space<semaphore_mem>>) src(%arg10 : memref<2x16xf32, #tpu.memory_space<vmem>>) dst(%dma_wait3A_285 : memref<2x16xf32, #tpu.memory_space<hbm>>)
      tpu.yield
    }) : () -> ()
    return
  }
}

module attributes {stable_mosaic.version = 14 : i64} {
  func.func @_tc_scores(%arg0: i32, %arg1: memref<1xi32, #tpu.memory_space<smem>>, %arg2: memref<1x1x128xf32, #tpu.memory_space<vmem>>, %arg3: memref<16384x128xf32, #tpu.memory_space<vmem>>, %arg4: memref<16384xf32, #tpu.memory_space<vmem>>) attributes {dimension_semantics = [#tpu.dimension_semantics<arbitrary>], iteration_bounds = array<i64: 7>, scalar_prefetch = 1 : i64, scratch_operands = 0 : i64, tpu.core_type = #tpu.core_type<tc>, window_params = [{transform_indices = @transform_0, window_bounds = array<i64: 1, 1, 128>}, {transform_indices = @transform_1, window_bounds = array<i64: 16384, 128>}, {transform_indices = @transform_2, window_bounds = array<i64: 16384>}]} {
    %get3A = arith.constant 0 : index
    %get3A_0 = arith.constant 0 : index
    %get3A_1 = arith.constant 0 : index
    %get3A_2 = vector.load %arg2[%get3A, %get3A_0, %get3A_1] : memref<1x1x128xf32, #tpu.memory_space<vmem>>, vector<1x1x128xf32>
    %get3A_3 = vector.shape_cast %get3A_2 : vector<1x1x128xf32> to vector<1x128xf32>
    %get3A_4 = arith.constant 0 : index
    %get3A_5 = arith.constant 0 : index
    %get3A_6 = vector.load %arg3[%get3A_4, %get3A_5] : memref<16384x128xf32, #tpu.memory_space<vmem>>, vector<16384x128xf32>
    %dot_general3A = arith.constant dense<0.000000e+00> : vector<1x16384xf32>
    %dot_general3A_7 = tpu.matmul %get3A_3, %get3A_6, %dot_general3A {dimension_numbers = #tpu.dot_dimension_numbers<[1], [1], [0], [0], [0, 0, 1, 0], [], []>, transpose_lhs_hint = false} : vector<1x128xf32>, vector<16384x128xf32>, vector<1x16384xf32> -> vector<1x16384xf32>
    %neg3A = arith.constant 0.000000e+00 : f32
    %neg3A_8 = vector.broadcast %neg3A : f32 to vector<1x16384xf32>
    %neg3A_9 = arith.subf %neg3A_8, %dot_general3A_7 : vector<1x16384xf32>
    %exp3A = math.exp %neg3A_9 : vector<1x16384xf32>
    %add3A = arith.constant 1.000000e+00 : f32
    %add3A_10 = vector.broadcast %add3A : f32 to vector<1x16384xf32>
    %add3A_11 = arith.addf %add3A_10, %exp3A : vector<1x16384xf32>
    %div3A = arith.constant 1.000000e+00 : f32
    %div3A_12 = vector.broadcast %div3A : f32 to vector<1x16384xf32>
    %div3A_13 = arith.divf %div3A_12, %add3A_11 : vector<1x16384xf32>
    %reshape3A = vector.shape_cast %div3A_13 : vector<1x16384xf32> to vector<16384xf32>
    %swap3A = arith.constant 0 : index
    %swap3A_14 = vector.load %arg4[%swap3A] : memref<16384xf32, #tpu.memory_space<vmem>>, vector<16384xf32>
    tpu.vector_store %arg4[%swap3A], %reshape3A {strides = array<i32>} : memref<16384xf32, #tpu.memory_space<vmem>>, vector<16384xf32>,
    return
  }
  func.func @transform_0(%arg0: i32, %arg1: memref<1xi32, #tpu.memory_space<smem>>) -> (i32, i32, i32) {
    %get3A = arith.constant 0 : index
    %get3A_0 = memref.load %arg1[%get3A] : memref<1xi32, #tpu.memory_space<smem>>
    %c0_i32 = arith.constant 0 : i32
    %c0_i32_1 = arith.constant 0 : i32
    %c0_i32_2 = arith.constant 0 : i32
    return %get3A_0, %c0_i32, %c0_i32_1 : i32, i32, i32
  }
  func.func @transform_1(%arg0: i32, %arg1: memref<1xi32, #tpu.memory_space<smem>>) -> (i32, i32) {
    %c0_i32 = arith.constant 0 : i32
    %c0_i32_0 = arith.constant 0 : i32
    return %arg0, %c0_i32 : i32, i32
  }
  func.func @transform_2(%arg0: i32, %arg1: memref<1xi32, #tpu.memory_space<smem>>) -> i32 {
    %c0_i32 = arith.constant 0 : i32
    return %arg0 : i32
  }
}

</mosaic_0001>

<sc_bundles>
// kernel: kernel.4.cloned.1.call-start
scs
__scs_entry_jumppad:
0x0: {  	(pc) =	sbr.rel $0x88, $3  }
0x1: {  	(tag) =	ssettag $0x0;
	lr =	simm.s32 $0x1  }
0x2: {  	[smem:$0x3F9C] =	sst lr;
	_ =	strace $0xD0000000  }
0x3: {  	_ = 	snop  }
0x4: {  	_ = 	snop  }
0x5: {  	_ = 	snop  }
0x6: {  	_ = 	snop  }
0x7: {  	_ = 	snop  }
__scs_overlays_trampoline_lowered:
0x8: {  	[smem:$0x3FAB] =	sst s0  }
0x9: {  	[smem:$0x3FAC] =	sst s1  }
0xa: {  	[smem:$0x3FAD] =	sst s2  }
0xb: {  	[smem:$0x3FAE] =	sst s3  }
0xc: {  	[smem:$0x3FAF] =	sst s4  }
0xd: {  	[smem:$0x3FB0] =	sst s5  }
0xe: {  	[smem:$0x3FB1] =	sst s6  }
0xf: {  	[smem:$0x3FB2] =	sst s7  }
0x10: {  	[smem:$0x3FB3] =	sst s8  }
0x11: {  	[smem:$0x3FB4] =	sst s9;
	s0 =	simm.s32 @!p0 $0x0  }
0x12: {  	s1 =	sld [smem:$0x3F9A];
	s0 =	simm.s32 @p0 $0x1  }
0x13: {  	[smem:$0x3FB5] =	sst s0;
	s0 =	simm.s32 @!p1 $0x0  }
0x14: {  	s2 =	sld [smem:$0x3F99];
	s0 =	simm.s32 @p1 $0x1  }
0x15: {  	[smem:$0x3FB6] =	sst s0;
	s0 =	simm.s32 @!p2 $0x0  }
0x16: {  	s3 =	sld [smem:$0x3FDB];
	s0 =	simm.s32 @p2 $0x1  }
0x17: {  	s4 =	simm.s32 $0x1BF5;
	[smem:$0x3FB8] =	sst s0  }
0x18: {  	s0 =	sld [smem:$0x3F9B];
	_ =	swait.ge [sflag:s4], $0x0  }
0x19: {  	s7 =	sld [smem:$0x3F9C]  }
0x1a: {  	s8 =	sadd.s32 $0xFFFFE003, lr  }
0x1b: {  	s9 =	sadd.s32 $0xFFFFFEF7, lr;
	s5 =	simm.s32 $0xFFFFFFFF;
	p2 =	slt.u32 s8, $0xFFFFF086  }
0x1c: {  	p1 =	slt.u32 s9, $0xF7A;
	s5 =	simm.s32 @!p2 $0x0  }
0x1d: {  	s5 =	simm.s32 @p1 $0x1;
	p0 =	seq.s32 s7, s2  }
0x1e: {  	s7 =	smul.u32 @!p0 $0xF7A, s2;
	p2 =	seq.s32 @!p0 s5, $0x0  }
0x1f: {  	s9 =	smul.u32 $0xF7A, s1;
	s8 =	simm.s32 @!p0 $0x1BF5;
	p2 =	por !p2, p0  }
0x20: {  	[sflag:s8] =	ssyncset.s32 @!p0 $0xFFFFF086;
	s6 =	sadd.s32 @!p0 s3, s7;
	s7 =	simm.s32 @!p0 $0x108  }
0x21: {  	s3 =	sadd.s32 s3, s9;
	s6 =	sadd.s32 @!p0 $0x88, s6;
	s7 =	simm.s32 @p2 $0x1082  }
0x22: {  	[simem:s7], [sflag:s8] =	dma.local @!p0 [hbm:s6], $0xF7A  }
0x23: {  	s9 =	sor.u32 $0xD0000000, s2;
	s6 =	simm.s32 $0x108;
	_ =	swait.ge @!p0 [sflag:s8], $0x0  }
0x24: {  	s3 =	sadd.s32 $0x88, s3;
	s6 =	simm.s32 @!p1 $0x1082;
	[sflag:s4] =	ssyncset.s32 $0xFFFFF086  }
0x25: {  	[simem:s6], [sflag:s4] =	dma.local [hbm:s3], $0xF7A  }
0x26: {  	[smem:$0x3F9C] =	sst s1;
	(tag) =	ssettag s2;
	_ =	strace s9  }
0x27: {  	s1 =	sld [smem:$0x3FAC]  }
0x28: {  	s2 =	sld [smem:$0x3FAD]  }
0x29: {  	s4 =	sld [smem:$0x3FAF]  }
0x2a: {  	p0 =	seq.s32 s5, $0x0;
	s5 =	sld [smem:$0x3FB0]  }
0x2b: {  	s6 =	sld [smem:$0x3FB1]  }
0x2c: {  	s7 =	sld [smem:$0x3FB2]  }
0x2d: {  	s3 =	simm.s32 $0x108;
	s8 =	sld [smem:$0x3FB3]  }
0x2e: {  	s3 =	simm.s32 @!p0 $0x1082;
	s9 =	sld [smem:$0x3FB4]  }
0x2f: {  	lr =	sadd.s32 s0, s3;
	s0 =	sld [smem:$0x3FAB]  }
0x30: {  	s3 =	sld [smem:$0x3FAE]  }
0x31: {  	[smem:$0x3FB7] =	sst s10  }
0x32: {  	s10 =	sld [smem:$0x3FB5];
	_ =	sdelay $0x3  }
0x33: {  	p0 =	seq.s32 s10, $0x1;
	s10 =	sld [smem:$0x3FB7];
	_ =	sdelay $0x3  }
0x34: {  	[smem:$0x3FB7] =	sst s10  }
0x35: {  	s10 =	sld [smem:$0x3FB6];
	_ =	sdelay $0x3  }
0x36: {  	p1 =	seq.s32 s10, $0x1;
	s10 =	sld [smem:$0x3FB7];
	_ =	sdelay $0x3  }
0x37: {  	[smem:$0x3FB7] =	sst s10  }
0x38: {  	s10 =	sld [smem:$0x3FB8]  }
0x39: {  	_ = 	snop;
	(pc) =	sbr.ind lr, $3  }
0x3a: {  	_ = 	snop  }
0x3b: {  	_ = 	snop  }
0x3c: {  	p2 =	seq.s32 s10, $0x1;
	s10 =	sld [smem:$0x3FB7]  }
0x3d: {  	_ =	shalt  }
0x3e: {  	_ =	shalt  }
0x3f: {  	_ =	shalt  }
0x40: {  	_ =	shalt  }
0x41: {  	_ =	shalt  }
0x42: {  	_ =	shalt  }
0x43: {  	_ =	shalt  }
0x44: {  	_ =	shalt  }
0x45: {  	_ =	shalt  }
0x46: {  	_ =	shalt  }
0x47: {  	_ =	shalt  }
0x48: {  	_ =	shalt  }
0x49: {  	_ =	shalt  }
0x4a: {  	_ =	shalt  }
0x4b: {  	_ =	shalt  }
0x4c: {  	_ =	shalt  }
0x4d: {  	_ =	shalt  }
0x4e: {  	_ =	shalt  }
0x4f: {  	_ =	shalt  }
0x50: {  	_ =	shalt  }
0x51: {  	_ =	shalt  }
0x52: {  	_ =	shalt  }
0x53: {  	_ =	shalt  }
0x54: {  	_ =	shalt  }
0x55: {  	_ =	shalt  }
0x56: {  	_ =	shalt  }
0x57: {  	_ =	shalt  }
0x58: {  	_ =	shalt  }
0x59: {  	_ =	shalt  }
0x5a: {  	_ =	shalt  }
0x5b: {  	_ =	shalt  }
0x5c: {  	_ =	shalt  }
0x5d: {  	_ =	shalt  }
0x5e: {  	_ =	shalt  }
0x5f: {  	_ =	shalt  }
0x60: {  	_ =	shalt  }
0x61: {  	_ =	shalt  }
0x62: {  	_ =	shalt  }
0x63: {  	_ =	shalt  }
0x64: {  	_ =	shalt  }
0x65: {  	_ =	shalt  }
0x66: {  	_ =	shalt  }
0x67: {  	_ =	shalt  }
0x68: {  	_ =	shalt  }
0x69: {  	_ =	shalt  }
0x6a: {  	_ =	shalt  }
0x6b: {  	_ =	shalt  }
0x6c: {  	_ =	shalt  }
0x6d: {  	_ =	shalt  }
0x6e: {  	_ =	shalt  }
0x6f: {  	_ =	shalt  }
0x70: {  	_ =	shalt  }
0x71: {  	_ =	shalt  }
0x72: {  	_ =	shalt  }
0x73: {  	_ =	shalt  }
0x74: {  	_ =	shalt  }
0x75: {  	_ =	shalt  }
0x76: {  	_ =	shalt  }
0x77: {  	_ =	shalt  }
0x78: {  	_ =	shalt  }
0x79: {  	_ =	shalt  }
0x7a: {  	_ =	shalt  }
0x7b: {  	_ =	shalt  }
0x7c: {  	_ =	shalt  }
0x7d: {  	_ =	shalt  }
0x7e: {  	_ =	shalt  }
0x7f: {  	_ =	shalt  }
0x80: {  	_ =	shalt  }
0x81: {  	_ =	shalt  }
0x82: {  	_ =	shalt  }
0x83: {  	_ =	shalt  }
0x84: {  	_ =	shalt  }
0x85: {  	_ =	shalt  }
0x86: {  	_ =	shalt  }
0x87: {  	_ =	shalt  }
.Lfunc_end0:
.L_simem_size_0:
called_computation_lowered:
.L_overlay_start_0:
0x88: {  	s2 =	sld [smem:$0x3FD9]  }
0x89: {  	s3 =	sld [smem:$0x3FFE];
	_ =	sdelay $0x1  }
0x8a: {  	s1 =	srdreg.scid  }
0x8b: {  	s0 =	sand.u32 $0x1, s1  }
0x8c: {  	s17 =	sshll.u32 s0, $0xA;
	s2 =	sadd.s32 s3, s2  }
0x8d: {  	s2 =	sadd.s32 s2, s17  }
0x8e: {  	[smem:$0x3FC3] =	sst s2  }
0x8f: {  	_ = 	snop  }
0x90: {  	s2 =	sld [smem:$0x3FC8]  }
0x91: {  	s18 =	sld [smem:$0x3FC7];
	(tm) =	ssettm $0x1  }
0x92: {  	s4 =	sld [smem:$0x3FFB];
	_ =	sdelay $0x3  }
0x93: {  	_ =	strace s4  }
0x94: {  	s4 =	sld [smem:$0x3FFC];
	_ =	sdelay $0x3  }
0x95: {  	_ =	strace s4  }
0x96: {  	s4 =	sld [smem:$0x3FFD];
	_ =	sdelay $0x3  }
0x97: {  	_ =	strace s4  }
0x98: {  	_ =	strace $0x8FFFFFFF  }
0x99: {  	s19 =	sld [smem:$0x3FDB];
	_ =	sdelay $0x1  }
0x9a: {  	s5 =	simm.s32 $_scs_section_size  }
0x9b: {  	s6 =	simm.s32 $_size__tile_overlayer_lowered;
	s7 =	simm.s32 $_tile_overlayer_lowered  }
0x9c: {  	s22 =	simm.s32 $0x1BFF;
	s21 =	sshll.u32 s7, $0x1;
	s4 =	sadd.s32 s5, s19  }
0x9d: {  	s8 =	simm.s32 $0x0;
	s20 =	sshll.u32 s6, $0x1;
	s6 =	sadd.s32 s21, s4  }
0x9e: {  	[timem:s8], [sflag:s22] =	dma.local [hbm:s6], s20  }
0x9f: {  	_ =	swait.ge [sflag:s22], s20  }
0xa0: {  	s5 =	ssub.s32 $0x0, s20;
	[sflag:s22] =	ssyncset.done $0x0  }
0xa1: {  	[sflag:s22] =	ssyncadd.s32 s5;
	_ =	sdelay $0x1  }
0xa2: {  	s23 =	simm.s32 $0x1B8B  }
0xa3: {  	_ =	swait.ge [sflag:s23], $0x1  }
0xa4: {  	[sflag:s23] =	ssyncset.done $0x0  }
0xa5: {  	s25 =	simm.s32 $0x1B8E;
	s24 =	sld [smem:$0x3FFE];
	[sflag:s23] =	ssyncadd.s32 $0xFFFFFFFF  }
0xa6: {  	s26 =	simm.s32 $execute0_lowered;
	[smem:$0x3FD2] =	sst s25  }
0xa7: {  	s6 =	sshll.u32 s26, $0x1;
	_ =	strace $0x80000046;
	[dreg:$0x1] =	wrdreg $0xFFFFFFFF  }
0xa8: {  	s28 =	simm.s32 $_size_execute0_lowered;
	s4 =	sadd.s32 s4, s6;
	[dreg:$0x0] =	wrdreg $0x0  }
0xa9: {  	s6 =	sshll.u32 s28, $0x1;
	[dreg:$0x2] =	wrdreg s4  }
0xaa: {  	[dreg:$0x3] =	wrdreg s6  }
0xab: {  	[dreg:$0x4] =	wrdreg $0xC0  }
0xac: {  	_ =	task [dreg:s8], $0x5FFFF  }
0xad: {  	[dreg:$0x1] =	wrdreg $0xFFFFFFFF  }
0xae: {  	[dreg:$0x0] =	wrdreg $0x60  }
0xaf: {  	[dreg:$0x2] =	wrdreg s24  }
0xb0: {  	[dreg:$0x3] =	wrdreg s2  }
0xb1: {  	[dreg:$0x4] =	wrdreg s18  }
0xb2: {  	[dreg:$0x5] =	wrdreg $0x15000  }
0xb3: {  	[dreg:$0x6] =	wrdreg $0x9  }
0xb4: {  	_ =	task.clear_ibuf [dreg:s8], $0x7FFFF;
	_ =	strace $0x90000046  }
0xb5: {  	s29 =	simm.s32 $0x9;
	_ =	strace $0x80000048  }
0xb6: {  	_ =	swait.ge [sflag:s29], $0x1  }
0xb7: {  	[sflag:s29] =	ssyncadd.s32 $0xFFFFFFFF  }
0xb8: {  	_ =	strace $0x90000048  }
0xb9: {  	_ =	sfence  }
0xba: {  	s30 =	sld [smem:$0x0];
	_ =	sdelay $0x2  }
0xbb: {  	s31 =	sshll.u32 s1, $0xD;
	s1 =	sshrl.u32 s1, $0x2  }
0xbc: {  	s3 =	sand.u32 $0x4000, s31;
	s1 =	sadd.s32 s1, s30  }
0xbd: {  	s0 =	sor.u32 s3, s0;
	s1 =	sshll.u32 s1, $0x11  }
0xbe: {  	s0 =	sor.u32 s1, s0  }
0xbf: {  	s0 =	sadd.s32 $0x8F2B, s0  }
0xc0: {  	[sflag:s0] =	ssyncadd.remote.s32 $0x1  }
0xc1: {  	_ =	sfence.sel $0xFFFF  }
0xc2: {  	[dreg:$0x0] =	wrdreg $0xFFFFFFFF;
	(pc) =	sbr.abs _section_cstart, $3  }
0xc3: {  	[dreg:$0x1] =	wrdreg $0xFFFFFFFF  }
0xc4: {  	_ =	task.clear_ibuf [dreg:s8], $0x2FFFF;
	_ =	strace $0x9FFFFFFF  }
0xc5: {  	(tm) =	ssettm $0x7FFFFFFF  }
tec
execute0_lowered:
.L_overlay_start_1:
0x0: {  	(tag) =	ssettag $0x1  }
0x1: {  	s0 =	rddreg [dreg:$0x0]  }
0x2: {  	s1 =	rddreg [dreg:$0x1]  }
0x3: {  	s5 =	rddreg [dreg:$0x2]  }
0x4: {  	s2 =	rddreg [dreg:$0x3];
	s11 =	stileid.u32;
	s3 =	simm.s32 $0x0  }
0x5: {  	s4 =	srdreg.scid;
	s13 =	simm.s32 $0x80;
	s18 =	simm.s32 $0x680  }
0x6: {  	s19 =	simm.s32 $0x1080;
	s20 =	simm.s32 $0x700;
	s21 =	simm.s32 $0x1100  }
0x7: {  	s22 =	simm.s32 $0x780;
	s28 =	simm.s32 $0x1280;
	s29 =	simm.s32 $0x900  }
0x8: {  	s30 =	simm.s32 $0x1300;
	s31 =	simm.s32 $0x980;
	s14 =	simm.s32 $0x1400  }
0x9: {  	s15 =	simm.s32 $0x0;
	s6 =	smul.u32 $0x1C00, s11;
	[smem:$0x7FF] =	sst s3  }
0xa: {  	s4 =	sand.u32 $0x1, s4;
	s7 =	sshll.u32 s11, $0x1;
	s26 =	sshll.u32 s11, $0x6  }
0xb: {  	_ =	strace $0x80000047;
	s7 =	sor.u32 s4, s7;
	s4 =	ssub.s32 $0x2, s4  }
0xc: {  	s11 =	sor.u32 $0x1C02, s26;
	s26 =	simm.s32 $0x880;
	s8 =	sshrl.u32 s6, $0x3  }
0xd: {  	s9 =	sshll.u32 s7, $0x5;
	s23 =	sshrl.u32 s4, $0x1;
	s10 =	sshll.u32 s7, $0x6  }
0xe: {  	s24 =	sshll.u32 s7, $0x8;
	s25 =	sadd.s32 s6, s2;
	s8 =	sadd.s32 s8, s0  }
0xf: {  	s0 =	sadd.s32 s9, s0;
	s9 =	ssub.s32 s4, s23;
	s4 =	sadd.s32 s1, s10  }
0x10: {  	s5 =	sadd.s32 s5, s24;
	s10 =	simm.s32 $0x200;
	s12 =	sshrl.u32 s25, $0x3  }
0x11: {  	s23 =	simm.s32 $0x1180;
	s24 =	simm.s32 $0x800;
	s25 =	simm.s32 $0x1200  }
0x12: {  	s1 =	simm.s32 $0x1;
	s6 =	sadd.s32 $0x400, s8;
	s7 =	sadd.s32 $0x3C00, s0  }
0x13: {  	s8 =	smax.u32 s9, $0x1;
	s9 =	simm.s32 $0x2;
	s0 =	simm.s32 $0x1380  }
.LBB2_1:
0x14: {  	[tilespmem:s3], [sflag:$0x2] =	stream.linear.gather [hbm4b:s4+s3], $0x200, $0x38;
	[tilespmem:$0x3100] =	vst v63  }
0x15: {  	_ =	swait.ge [sflag:s9], $0x200  }
0x16: {  	[sflag:s9] =	ssyncset.done $0x0  }
0x17: {  	[sflag:s9] =	ssyncadd.s32 $0xFFFFFE00  }
0x18: {  	[tilespmem:s10], [sflag:$0x2] =	stream.linear.gather [hbm4b:s5+s3], $0x800, $0x38;
	[tilespmem:$0x3100] =	vst v63  }
0x19: {  	_ =	swait.ge [sflag:s9], $0x800  }
0x1a: {  	[sflag:s9] =	ssyncset.done $0x0  }
0x1b: {  	[sflag:s9] =	ssyncadd.s32 $0xFFFFF800  }
0x1c: {  	[spmem:s12], [sflag:s11] =	dma.local [hbm:s6], $0x380  }
0x1d: {  	_ =	swait.ge [sflag:s9], $0x380  }
0x1e: {  	[sflag:s9] =	ssyncset.done $0x0  }
0x1f: {  	[sflag:s9] =	ssyncadd.s32 $0xFFFFFC80  }
0x20: {  	s16 =	simm.s32 $0xA00;
	[bflag:$0x0] =	sbarrier.arrive $0xFFFF  }
0x21: {  	[tilespmem:s16], [sflag:$0x1] =	stream.indirect.gather [spmem:s2], $0x1, s3, s13, $0xb8;
	[tilespmem:$0x3100] =	vst v63  }
0x22: {  	s17 =	simm.s32 $0xA80  }
0x23: {  	[tilespmem:s17], [sflag:$0x1] =	stream.indirect.gather [spmem:s2], $0x1, s13, s13, $0xb8;
	[tilespmem:$0x3100] =	vst v63  }
0x24: {  	s16 =	simm.s32 $0x100;
	s17 =	simm.s32 $0xB00  }
0x25: {  	[tilespmem:s17], [sflag:$0x1] =	stream.indirect.gather [spmem:s2], $0x1, s16, s13, $0xb8;
	[tilespmem:$0x3100] =	vst v63  }
0x26: {  	s16 =	simm.s32 $0x180;
	s17 =	simm.s32 $0xB80  }
0x27: {  	[tilespmem:s17], [sflag:$0x1] =	stream.indirect.gather [spmem:s2], $0x1, s16, s13, $0xb8;
	[tilespmem:$0x3100] =	vst v63  }
0x28: {  	s17 =	simm.s32 $0xC00  }
0x29: {  	[tilespmem:s17], [sflag:$0x1] =	stream.indirect.gather [spmem:s2], $0x1, s10, s13, $0xb8;
	[tilespmem:$0x3100] =	vst v63  }
0x2a: {  	s16 =	simm.s32 $0x280;
	s17 =	simm.s32 $0xC80  }
0x2b: {  	[tilespmem:s17], [sflag:$0x1] =	stream.indirect.gather [spmem:s2], $0x1, s16, s13, $0xb8;
	[tilespmem:$0x3100] =	vst v63  }
0x2c: {  	s16 =	simm.s32 $0x300;
	s17 =	simm.s32 $0xD00  }
0x2d: {  	[tilespmem:s17], [sflag:$0x1] =	stream.indirect.gather [spmem:s2], $0x1, s16, s13, $0xb8;
	[tilespmem:$0x3100] =	vst v63  }
0x2e: {  	s16 =	simm.s32 $0x380;
	s17 =	simm.s32 $0xD80  }
0x2f: {  	[tilespmem:s17], [sflag:$0x1] =	stream.indirect.gather [spmem:s2], $0x1, s16, s13, $0xb8;
	[tilespmem:$0x3100] =	vst v63  }
0x30: {  	s16 =	simm.s32 $0x400;
	s17 =	simm.s32 $0xE00  }
0x31: {  	[tilespmem:s17], [sflag:$0x1] =	stream.indirect.gather [spmem:s2], $0x1, s16, s13, $0xb8;
	[tilespmem:$0x3100] =	vst v63  }
0x32: {  	s16 =	simm.s32 $0x480;
	s17 =	simm.s32 $0xE80  }
0x33: {  	[tilespmem:s17], [sflag:$0x1] =	stream.indirect.gather [spmem:s2], $0x1, s16, s13, $0xb8;
	[tilespmem:$0x3100] =	vst v63  }
0x34: {  	s16 =	simm.s32 $0x500;
	s17 =	simm.s32 $0xF00  }
0x35: {  	[tilespmem:s17], [sflag:$0x1] =	stream.indirect.gather [spmem:s2], $0x1, s16, s13, $0xb8;
	[tilespmem:$0x3100] =	vst v63  }
0x36: {  	s16 =	simm.s32 $0x580;
	s17 =	simm.s32 $0xF80  }
0x37: {  	[tilespmem:s17], [sflag:$0x1] =	stream.indirect.gather [spmem:s2], $0x1, s16, s13, $0xb8;
	[tilespmem:$0x3100] =	vst v63  }
0x38: {  	s16 =	simm.s32 $0x600;
	s17 =	simm.s32 $0x1000  }
0x39: {  	[tilespmem:s17], [sflag:$0x1] =	stream.indirect.gather [spmem:s2], $0x1, s16, s13, $0xb8;
	[tilespmem:$0x3100] =	vst v63  }
0x3a: {  	_ = 	snop  }
0x3b: {  	[tilespmem:s19], [sflag:$0x1] =	stream.indirect.gather [spmem:s2], $0x1, s18, s13, $0xb8;
	[tilespmem:$0x3100] =	vst v63  }
0x3c: {  	_ = 	snop  }
0x3d: {  	[tilespmem:s21], [sflag:$0x1] =	stream.indirect.gather [spmem:s2], $0x1, s20, s13, $0xb8;
	[tilespmem:$0x3100] =	vst v63  }
0x3e: {  	_ = 	snop  }
0x3f: {  	[tilespmem:s23], [sflag:$0x1] =	stream.indirect.gather [spmem:s2], $0x1, s22, s13, $0xb8;
	[tilespmem:$0x3100] =	vst v63  }
0x40: {  	_ = 	snop  }
0x41: {  	[tilespmem:s25], [sflag:$0x1] =	stream.indirect.gather [spmem:s2], $0x1, s24, s13, $0xb8;
	[tilespmem:$0x3100] =	vst v63  }
0x42: {  	_ = 	snop  }
0x43: {  	[tilespmem:s28], [sflag:$0x1] =	stream.indirect.gather [spmem:s2], $0x1, s26, s13, $0xb8;
	[tilespmem:$0x3100] =	vst v63  }
0x44: {  	_ = 	snop  }
0x45: {  	[tilespmem:s30], [sflag:$0x1] =	stream.indirect.gather [spmem:s2], $0x1, s29, s13, $0xb8;
	[tilespmem:$0x3100] =	vst v63  }
0x46: {  	_ = 	snop  }
0x47: {  	[tilespmem:s0], [sflag:$0x1] =	stream.indirect.gather [spmem:s2], $0x1, s31, s13, $0xb8;
	[tilespmem:$0x3100] =	vst v63  }
0x48: {  	_ =	swait.ge [sflag:s1], $0x80  }
0x49: {  	[sflag:s1] =	ssyncset.done $0x0  }
0x4a: {  	[sflag:s1] =	ssyncadd.s32 $0xFFFFFF80  }
0x4b: {  	_ =	swait.ge [sflag:s1], $0x80  }
0x4c: {  	[sflag:s1] =	ssyncset.done $0x0  }
0x4d: {  	[sflag:s1] =	ssyncadd.s32 $0xFFFFFF80  }
0x4e: {  	_ =	swait.ge [sflag:s1], $0x80  }
0x4f: {  	[sflag:s1] =	ssyncset.done $0x0  }
0x50: {  	[sflag:s1] =	ssyncadd.s32 $0xFFFFFF80  }
0x51: {  	_ =	swait.ge [sflag:s1], $0x80  }
0x52: {  	[sflag:s1] =	ssyncset.done $0x0  }
0x53: {  	[sflag:s1] =	ssyncadd.s32 $0xFFFFFF80  }
0x54: {  	_ =	swait.ge [sflag:s1], $0x80  }
0x55: {  	[sflag:s1] =	ssyncset.done $0x0  }
0x56: {  	[sflag:s1] =	ssyncadd.s32 $0xFFFFFF80  }
0x57: {  	_ =	swait.ge [sflag:s1], $0x80  }
0x58: {  	[sflag:s1] =	ssyncset.done $0x0  }
0x59: {  	[sflag:s1] =	ssyncadd.s32 $0xFFFFFF80  }
0x5a: {  	_ =	swait.ge [sflag:s1], $0x80  }
0x5b: {  	[sflag:s1] =	ssyncset.done $0x0  }
0x5c: {  	[sflag:s1] =	ssyncadd.s32 $0xFFFFFF80  }
0x5d: {  	_ =	swait.ge [sflag:s1], $0x80  }
0x5e: {  	[sflag:s1] =	ssyncset.done $0x0  }
0x5f: {  	[sflag:s1] =	ssyncadd.s32 $0xFFFFFF80  }
0x60: {  	_ =	swait.ge [sflag:s1], $0x80  }
0x61: {  	[sflag:s1] =	ssyncset.done $0x0  }
0x62: {  	[sflag:s1] =	ssyncadd.s32 $0xFFFFFF80  }
0x63: {  	_ =	swait.ge [sflag:s1], $0x80  }
0x64: {  	[sflag:s1] =	ssyncset.done $0x0  }
0x65: {  	[sflag:s1] =	ssyncadd.s32 $0xFFFFFF80  }
0x66: {  	_ =	swait.ge [sflag:s1], $0x80  }
0x67: {  	[sflag:s1] =	ssyncset.done $0x0  }
0x68: {  	[sflag:s1] =	ssyncadd.s32 $0xFFFFFF80  }
0x69: {  	_ =	swait.ge [sflag:s1], $0x80  }
0x6a: {  	[sflag:s1] =	ssyncset.done $0x0  }
0x6b: {  	[sflag:s1] =	ssyncadd.s32 $0xFFFFFF80  }
0x6c: {  	_ =	swait.ge [sflag:s1], $0x80  }
0x6d: {  	[sflag:s1] =	ssyncset.done $0x0  }
0x6e: {  	[sflag:s1] =	ssyncadd.s32 $0xFFFFFF80  }
0x6f: {  	_ =	swait.ge [sflag:s1], $0x80  }
0x70: {  	[sflag:s1] =	ssyncset.done $0x0  }
0x71: {  	[sflag:s1] =	ssyncadd.s32 $0xFFFFFF80  }
0x72: {  	_ =	swait.ge [sflag:s1], $0x80  }
0x73: {  	[sflag:s1] =	ssyncset.done $0x0  }
0x74: {  	[sflag:s1] =	ssyncadd.s32 $0xFFFFFF80  }
0x75: {  	_ =	swait.ge [sflag:s1], $0x80  }
0x76: {  	[sflag:s1] =	ssyncset.done $0x0  }
0x77: {  	[sflag:s1] =	ssyncadd.s32 $0xFFFFFF80  }
0x78: {  	_ =	swait.ge [sflag:s1], $0x80  }
0x79: {  	[sflag:s1] =	ssyncset.done $0x0  }
0x7a: {  	[sflag:s1] =	ssyncadd.s32 $0xFFFFFF80  }
0x7b: {  	_ =	swait.ge [sflag:s1], $0x80  }
0x7c: {  	[sflag:s1] =	ssyncset.done $0x0  }
0x7d: {  	[sflag:s1] =	ssyncadd.s32 $0xFFFFFF80  }
0x7e: {  	_ =	swait.ge [sflag:s1], $0x80  }
0x7f: {  	[sflag:s1] =	ssyncset.done $0x0  }
0x80: {  	[sflag:s1] =	ssyncadd.s32 $0xFFFFFF80  }
0x81: {  	_ =	swait.ge [sflag:s1], $0x80  }
0x82: {  	[sflag:s1] =	ssyncset.done $0x0  }
0x83: {  	[sflag:s1] =	ssyncadd.s32 $0xFFFFFF80  }
0x84: {  	v0 =	vld [tilespmem:$0xA00]  }
0x85: {  	v1 =	vld [tilespmem:$0xA10]  }
0x86: {  	v2 =	vld [tilespmem:$0xA20]  }
0x87: {  	v3 =	vld [tilespmem:$0xA30]  }
0x88: {  	v4 =	vld [tilespmem:$0xA40]  }
0x89: {  	v5 =	vld [tilespmem:$0xA50]  }
0x8a: {  	v6 =	vld [tilespmem:$0xA60]  }
0x8b: {  	v7 =	vld [tilespmem:$0xA70]  }
0x8c: {  	v8 =	vld [tilespmem:$0xA80]  }
0x8d: {  	v9 =	vld [tilespmem:$0xA90]  }
0x8e: {  	v10 =	vld [tilespmem:$0xAA0]  }
0x8f: {  	v11 =	vld [tilespmem:$0xAB0]  }
0x90: {  	v12 =	vld [tilespmem:$0xAC0]  }
0x91: {  	v13 =	vld [tilespmem:$0xAD0]  }
0x92: {  	v14 =	vld [tilespmem:$0xAE0]  }
0x93: {  	v15 =	vld [tilespmem:$0xAF0]  }
0x94: {  	v16 =	vld [tilespmem:$0xB00]  }
0x95: {  	v17 =	vld [tilespmem:$0xB10]  }
0x96: {  	v18 =	vld [tilespmem:$0xB20]  }
0x97: {  	v19 =	vld [tilespmem:$0xB30]  }
0x98: {  	v20 =	vld [tilespmem:$0xB40]  }
0x99: {  	v21 =	vld [tilespmem:$0xB50]  }
0x9a: {  	v22 =	vld [tilespmem:$0xB60]  }
0x9b: {  	v23 =	vld [tilespmem:$0xB70]  }
0x9c: {  	v24 =	vld [tilespmem:$0xB80]  }
0x9d: {  	v25 =	vld [tilespmem:$0xB90]  }
0x9e: {  	v26 =	vld [tilespmem:$0xBA0]  }
0x9f: {  	v27 =	vld [tilespmem:$0xBB0]  }
0xa0: {  	v28 =	vld [tilespmem:$0xBC0]  }
0xa1: {  	v29 =	vld [tilespmem:$0xBD0]  }
0xa2: {  	v30 =	vld [tilespmem:$0xBE0]  }
0xa3: {  	s17 =	simm.s32 $0x0;
	v31 =	vld [tilespmem:$0xBF0]  }
0xa4: {  	v32 =	vimm.f32 $0.0e+00;
	s16 =	simm.s32 $0x40;
	v33 =	vld [tilespmem:s17+$0xC00]  }
.LBB2_2:
0xa5: {  	p0 =	sne.s32 s16, $0x1FC0  }
.Ltmp0:
0xa6: {  	_ = 	snop;
	(pc) =	sbr.rel @p0 .LBB2_2-.Ltmp0, $3  }
0xa7: {  	_ =	sdelay $0x1  }
0xa8: {  	s17 =	sshra.s32 s16, $0x2;
	s16 =	sadd.s32 $0x40, s16;
	v32 =	vadd.f32 v33, v32  }
0xa9: {  	v33 =	vld [tilespmem:s17+$0xC00]  }
0xaa: {  	v0 =	vadd.f32 $0.0e+00, v0;
	_ =	sdelay $0x1  }
0xab: {  	v0 =	vadd.f32 v1, v0;
	_ =	sdelay $0x1  }
0xac: {  	v0 =	vadd.f32 v2, v0;
	_ =	sdelay $0x1  }
0xad: {  	v0 =	vadd.f32 v3, v0;
	_ =	sdelay $0x1  }
0xae: {  	v0 =	vadd.f32 v4, v0;
	_ =	sdelay $0x1  }
0xaf: {  	v0 =	vadd.f32 v5, v0;
	_ =	sdelay $0x1  }
0xb0: {  	v0 =	vadd.f32 v6, v0;
	_ =	sdelay $0x1  }
0xb1: {  	v0 =	vadd.f32 v7, v0;
	_ =	sdelay $0x1  }
0xb2: {  	v0 =	vadd.f32 v8, v0;
	_ =	sdelay $0x1  }
0xb3: {  	v0 =	vadd.f32 v9, v0;
	_ =	sdelay $0x1  }
0xb4: {  	v0 =	vadd.f32 v10, v0;
	_ =	sdelay $0x1  }
0xb5: {  	v0 =	vadd.f32 v11, v0;
	_ =	sdelay $0x1  }
0xb6: {  	v0 =	vadd.f32 v12, v0;
	_ =	sdelay $0x1  }
0xb7: {  	v0 =	vadd.f32 v13, v0;
	_ =	sdelay $0x1  }
0xb8: {  	v0 =	vadd.f32 v14, v0;
	_ =	sdelay $0x1  }
0xb9: {  	v0 =	vadd.f32 v15, v0;
	_ =	sdelay $0x1  }
0xba: {  	v0 =	vadd.f32 v16, v0;
	_ =	sdelay $0x1  }
0xbb: {  	v0 =	vadd.f32 v17, v0;
	_ =	sdelay $0x1  }
0xbc: {  	v0 =	vadd.f32 v18, v0;
	_ =	sdelay $0x1  }
0xbd: {  	v0 =	vadd.f32 v19, v0;
	_ =	sdelay $0x1  }
0xbe: {  	v0 =	vadd.f32 v20, v0;
	_ =	sdelay $0x1  }
0xbf: {  	v0 =	vadd.f32 v21, v0;
	_ =	sdelay $0x1  }
0xc0: {  	v0 =	vadd.f32 v22, v0;
	_ =	sdelay $0x1  }
0xc1: {  	v0 =	vadd.f32 v23, v0;
	_ =	sdelay $0x1  }
0xc2: {  	v0 =	vadd.f32 v24, v0;
	_ =	sdelay $0x1  }
0xc3: {  	v0 =	vadd.f32 v25, v0;
	_ =	sdelay $0x1  }
0xc4: {  	v0 =	vadd.f32 v26, v0;
	_ =	sdelay $0x1  }
0xc5: {  	v0 =	vadd.f32 v27, v0;
	_ =	sdelay $0x1  }
0xc6: {  	v0 =	vadd.f32 v28, v0;
	_ =	sdelay $0x1  }
0xc7: {  	v0 =	vadd.f32 v29, v0;
	_ =	sdelay $0x1  }
0xc8: {  	v0 =	vadd.f32 v30, v0  }
0xc9: {  	v63 =	vadd.f32 v33, v32  }
0xca: {  	s15 =	sadd.s32 $0x1, s15;
	v0 =	vadd.f32 v31, v0  }
0xcb: {  	p0 =	sne.s32 s15, s8;
	[tilespmem:$0x1480] =	vst v63  }
.Ltmp1:
0xcc: {  	[tilespmem:$0x1400] =	vst v0;
	(pc) =	sbr.rel @p0 .LBB2_1-.Ltmp1, $4  }
0xcd: {  	[hbm4b:s7+s3] =	stream.linear.scatter [tilespmem:s14], [sflag:$0x2], $0x100, $0x38;
	[tilespmem:$0x3100] =	vst v63  }
0xce: {  	_ =	swait.ge [sflag:s9], $0x100  }
0xcf: {  	[sflag:s9] =	ssyncset.done $0x0  }
0xd0: {  	[sflag:s9] =	ssyncadd.s32 $0xFFFFFF00  }
0xd1: {  	_ =	sfence.sel $0x180000  }
0xd2: {  	[bflag:$0x0] =	sbarrier.arrive $0xFFFF  }
0xd3: {  	_ =	strace $0x90000047  }
0xd4: {  	s0 =	stileid.u32;
	[bflag:$0x2] =	sbarrier.arrive $0xFFFF  }
0xd5: {  	p0 =	sne.s32 s0, $0x0;
	s0 =	rddreg [dreg:$0x4]  }
0xd6: {  	s0 =	sadd.s32 @!p0 $0x100000, s0  }
0xd7: {  	[sflag:s0] =	ssyncadd.tile.s32 @!p0 $0x1;
	_ =	shalt  }
.Lfunc_end2:
_tile_overlayer_lowered:
.L_overlay_start_2:
0xd8: {  	(tag) =	ssettag $0x2  }
0xd9: {  	s0 =	rddreg [dreg:$0x0];
	s2 =	stileid.u32  }
0xda: {  	s1 =	rddreg [dreg:$0x1];
	p0 =	sne.s32 s2, $0x0  }
0xdb: {  	s3 =	rddreg [dreg:$0x2];
	[bflag:$0x3] =	sbarrier.arrive $0xFFFF;
	s2 =	simm.s32 @!p0 $0x1C02  }
0xdc: {  	[timem:s3], [sflag:s2] =	dma.local @!p0 [hbm:s0], s1  }
0xdd: {  	s0 =	simm.s32 @!p0 $0x2  }
0xde: {  	_ =	swait.ge @!p0 [sflag:s0], s1  }
0xdf: {  	s1 =	ssub.s32 @!p0 $0x0, s1;
	[sflag:s0] =	ssyncset.done @!p0 $0x0  }
0xe0: {  	[sflag:s0] =	ssyncadd.s32 @!p0 s1  }
0xe1: {  	[bflag:$0x3] =	sbarrier.arrive $0xFFFF  }
0xe2: {  	_ =	shalt  }

</sc_bundles>
